<compile_context>
chip_gen: v7x
topology: tpu7x:2x2x1
jax: 0.10.2.dev20260603
libtpu: 0.0.44.dev20260713+nightly
codegen_flags: <defaults>
</compile_context>

<pallas_src>
import jax
import jax.numpy as jnp
from jax import lax
from jax.experimental import pallas as pl
from jax.experimental.pallas import tpu as pltpu
from jax.experimental.pallas import tpu_sc as plsc

B, H, W = 8, 384, 512
HW = H * W
NUM_TOP = 16384

NC, NS = 2, 16
NW = NC * NS
CHUNKS_PER_B = NW // B
CHUNK = NUM_TOP // CHUNKS_PER_B
ROWS = CHUNK // 128
LANES = 16
VITERS = 128 // LANES
OCHUNKS = 2
OROWS = ROWS // OCHUNKS
OLEN = CHUNK // OCHUNKS


def _sc_body(depth_hbm, coeff_hbm, ridx_hbm, out_hbm,
             sidx_v, ridx_v, d_v, coeff_v, out_v, gsem, osem):
    c = lax.axis_index("c")
    s = lax.axis_index("s")
    wid = s * NC + c
    b = wid // CHUNKS_PER_B
    ch = lax.rem(wid, CHUNKS_PER_B)
    base = ch * CHUNK
    bhw = b * HW

    pltpu.sync_copy(ridx_hbm.at[b, pl.ds(base, CHUNK)], ridx_v)

    def swiz_body(j, carry):
        for l in range(VITERS):
            off = j * 128 + l * LANES
            r = ridx_v[pl.ds(off, LANES)]
            sidx_v[pl.ds(off, LANES)] = (
                (r & ~4095) | ((r & 0x180) << 3) | ((r & 0xE00) >> 2)
                | (r & 127)) + bhw
        pltpu.async_copy(depth_hbm.at[sidx_v.at[pl.ds(j * 128, 128)]],
                         d_v.at[pl.ds(j * 128, 128)], gsem)
        return carry

    lax.fori_loop(0, ROWS, swiz_body, 0)

    pltpu.sync_copy(coeff_hbm.at[b], coeff_v)

    k00 = coeff_v[0]
    k01 = coeff_v[1]
    k02 = coeff_v[2]
    k10 = coeff_v[3]
    k11 = coeff_v[4]
    k12 = coeff_v[5]
    k20 = coeff_v[6]
    k21 = coeff_v[7]
    k22 = coeff_v[8]
    ones = jnp.full((LANES,), 1.0, dtype=jnp.float32)

    pltpu.make_async_copy(depth_hbm.at[pl.ds(0, CHUNK)], d_v, gsem).wait()

    out_dmas = []
    for oc in range(OCHUNKS):

        def row_body(j, carry):
            for l in range(VITERS):
                off = oc * OLEN + j * 128 + l * LANES
                r = ridx_v[pl.ds(off, LANES)]
                d = d_v[pl.ds(off, LANES)]
                x = (r & (W - 1)).astype(jnp.float32)
                y = (r >> 9).astype(jnp.float32)
                out_v[0, pl.ds(off, LANES)] = d * (k00 * x + k01 * y + k02)
                out_v[1, pl.ds(off, LANES)] = d * (k10 * x + k11 * y + k12)
                out_v[2, pl.ds(off, LANES)] = d * (k20 * x + k21 * y + k22)
                out_v[3, pl.ds(off, LANES)] = ones
            return carry

        lax.fori_loop(0, OROWS, row_body, 0)
        out_dmas.append(pltpu.async_copy(
            out_v.at[:, pl.ds(oc * OLEN, OLEN)],
            out_hbm.at[b, :, pl.ds(base + oc * OLEN, OLEN)], osem))

    for dma in out_dmas:
        dma.wait()


@jax.jit
def _backproject(depth, inv_K, top_k_indices):
    depth_lin = depth.reshape(B, H // 8, 8, W // 128, 128)
    depth_lin = depth_lin.transpose(0, 1, 3, 2, 4).reshape(B * HW)

    A = inv_K[:, :3, :3]
    coeff = A.reshape(B, 9)
    coeff16 = jnp.broadcast_to(coeff[:, :, None], (B, 9, LANES))

    run = pl.kernel(
        _sc_body,
        out_type=jax.ShapeDtypeStruct((B, 4, NUM_TOP), jnp.float32),
        mesh=plsc.VectorSubcoreMesh(core_axis_name="c", subcore_axis_name="s"),
        scratch_types=[
            pltpu.VMEM((CHUNK,), jnp.int32),
            pltpu.VMEM((CHUNK,), jnp.int32),
            pltpu.VMEM((CHUNK,), jnp.float32),
            pltpu.VMEM((9, LANES), jnp.float32),
            pltpu.VMEM((4, CHUNK), jnp.float32),
            pltpu.SemaphoreType.DMA,
            pltpu.SemaphoreType.DMA,
        ],
    )
    return run(depth_lin, coeff16, top_k_indices)


def kernel(depth, inv_K, top_k_indices):
    return _backproject(depth, inv_K, top_k_indices)

# --- scband reference (transcript-rebuilt; emitter-appended) ---
"""Pipeline reference for scband-backproject-depth-corre-18253611008840 (READ-ONLY COPY).

The authoritative reference and input builder live on the scoring server;
editing this copy changes nothing except your own understanding.
"""

import jax, jax.numpy as jnp
import numpy as np

B, H, W = 8, 384, 512
NUM_TOP = 16384


def _pix_coords():
    meshgrid = np.meshgrid(range(W), range(H), indexing='xy')
    id_coords = np.stack(meshgrid, axis=0).astype(np.float32)  # [2, H, W]
    pix = np.concatenate([
        id_coords[0].reshape(1, -1),
        id_coords[1].reshape(1, -1),
        np.ones((1, H * W), dtype=np.float32),
    ], axis=0)  # [3, H*W]
    return jnp.asarray(pix)


def setup_inputs(seed: int = 0) -> dict:
    key = jax.random.key(seed)
    k1, k2, k3 = jax.random.split(key, 3)
    depth = jax.random.uniform(k1, (B, 1, H, W), dtype=jnp.float32) * 10.0 + 0.1
    inv_K = jax.random.normal(k2, (B, 4, 4), dtype=jnp.float32)
    top_k_indices = jax.random.randint(k3, (B, NUM_TOP), 0, H * W, dtype=jnp.int32)
    return {"depth": depth, "inv_K": inv_K, "top_k_indices": top_k_indices}


def reference(depth, inv_K, top_k_indices):
    pix = _pix_coords()  # [3, H*W], identical across batch (pix_coords repeated)
    # pix_coords[batch_indices, :, top_k_indices].transpose(1, 2) -> [B, 3, K]
    pix_sel = jnp.take(pix, top_k_indices, axis=1)  # [3, B, K]
    pix_sel = jnp.transpose(pix_sel, (1, 0, 2))  # [B, 3, K]
    cam_points = jnp.einsum('bij,bjk->bik', inv_K[:, :3, :3], pix_sel)  # [B, 3, K]
    depth_flat = depth.reshape(B, -1)  # [B, H*W]
    depth_sel = jnp.take_along_axis(depth_flat, top_k_indices, axis=1)  # [B, K]
    depth_sel = depth_sel[:, None, :]  # [B, 1, K]
    cam_points = depth_sel * cam_points
    ones_sel = jnp.ones((B, 1, top_k_indices.shape[1]), dtype=jnp.float32)
    cam_points = jnp.concatenate([cam_points, ones_sel], axis=1)  # [B, 4, K]
    return cam_points

if __name__ == "__main__":
    import jax
    _d = setup_inputs()
    print(jax.jit(kernel)(*tuple(_d.values())))

</pallas_src>

<mosaic_0001>
#map = affine_map<(d0, d1) -> (0)>
#map1 = affine_map<(d0, d1) -> (0, 0, 0)>
#map2 = affine_map<(d0, d1) -> (0, 0)>
module attributes {stable_mosaic.version = 14 : i64} {
  func.func @_sc_body(%arg0: i32, %arg1: i32, %arg2: memref<1572864xf32, #tpu.memory_space<hbm>>, %arg3: memref<8x9x16xf32, #tpu.memory_space<hbm>>, %arg4: memref<8x16384xi32, #tpu.memory_space<hbm>>, %arg5: memref<8x4x16384xf32, #tpu.memory_space<hbm>>, %arg6: memref<4096xi32, #tpu.memory_space<vmem>>, %arg7: memref<4096xi32, #tpu.memory_space<vmem>>, %arg8: memref<4096xf32, #tpu.memory_space<vmem>>, %arg9: memref<9x16xf32, #tpu.memory_space<vmem>>, %arg10: memref<4x4096xf32, #tpu.memory_space<vmem>>, %arg11: memref<!tpu.dma_semaphore, #tpu.memory_space<semaphore_mem>>, %arg12: memref<!tpu.dma_semaphore, #tpu.memory_space<semaphore_mem>>) attributes {dimension_semantics = [#tpu.dimension_semantics<core_parallel>, #tpu.dimension_semantics<subcore_parallel>], iteration_bounds = array<i64: 2, 16>, scalar_prefetch = 0 : i64, scratch_operands = 7 : i64, tpu.core_type = #tpu.core_type<sc_vector_subcore>, window_params = [{transform_indices = #map}, {transform_indices = #map1}, {transform_indices = #map2}, {transform_indices = #map1}]} {
    %mul3A = arith.constant 2 : i32
    %mul3A_0 = arith.muli %arg1, %mul3A : i32
    %add3A = arith.addi %mul3A_0, %arg0 : i32
    %jit3A = arith.constant 4 : i32
    %div3A = arith.divsi %add3A, %jit3A : i32
    %sign3A = arith.constant 0 : i32
    %sign3A_1 = arith.cmpi sgt, %add3A, %sign3A : i32
    %sign3A_2 = arith.extui %sign3A_1 : i1 to i32
    %sign3A_3 = arith.constant 0 : i32
    %sign3A_4 = arith.cmpi slt, %add3A, %sign3A_3 : i32
    %sign3A_5 = arith.extui %sign3A_4 : i1 to i32
    %sign3A_6 = arith.subi %sign3A_2, %sign3A_5 : i32
    %sign3A_7 = arith.constant 0 : i32
    %sign3A_8 = arith.cmpi sgt, %jit3A, %sign3A_7 : i32
    %sign3A_9 = arith.extui %sign3A_8 : i1 to i32
    %sign3A_10 = arith.constant 0 : i32
    %sign3A_11 = arith.cmpi slt, %jit3A, %sign3A_10 : i32
    %sign3A_12 = arith.extui %sign3A_11 : i1 to i32
    %sign3A_13 = arith.subi %sign3A_9, %sign3A_12 : i32
    %ne3A = arith.cmpi ne, %sign3A_6, %sign3A_13 : i32
    %rem3A = arith.remsi %add3A, %jit3A : i32
    %ne3A_14 = arith.constant 0 : i32
    %ne3A_15 = arith.cmpi ne, %rem3A, %ne3A_14 : i32
    %and3A = arith.andi %ne3A, %ne3A_15 : i1
    %sub3A = arith.constant 1 : i32
    %sub3A_16 = arith.subi %div3A, %sub3A : i32
    %select_n3A = arith.select %and3A, %sub3A_16, %div3A : i32
    %rem3A_17 = arith.constant 4 : i32
    %rem3A_18 = arith.remsi %add3A, %rem3A_17 : i32
    %mul3A_19 = arith.constant 4096 : i32
    %mul3A_20 = arith.muli %rem3A_18, %mul3A_19 : i32
    %mul3A_21 = arith.constant 196608 : i32
    %mul3A_22 = arith.muli %select_n3A, %mul3A_21 : i32
    "tpu.region"() ({
      %run_scoped3A = tpu.sem_alloc : memref<!tpu.dma_semaphore, #tpu.memory_space<semaphore_mem>>
      %dma_start3A_139 = tpu.memref_slice %arg4[%select_n3A, %mul3A_20] : memref<8x16384xi32, #tpu.memory_space<hbm>> -> memref<1x4096xi32, #tpu.memory_space<hbm>>
      %dma_start3A_140 = tpu.memref_squeeze %dma_start3A_139 : memref<1x4096xi32, #tpu.memory_space<hbm>> -> memref<4096xi32, #tpu.memory_space<hbm>>
      %dma_start3A_141 = tpu.memref_slice %arg4[%select_n3A, %mul3A_20] : memref<8x16384xi32, #tpu.memory_space<hbm>> -> memref<1x4096xi32, #tpu.memory_space<hbm>>
      %dma_start3A_142 = tpu.memref_squeeze %dma_start3A_141 : memref<1x4096xi32, #tpu.memory_space<hbm>> -> memref<4096xi32, #tpu.memory_space<hbm>>
      tpu.enqueue_dma source(%dma_start3A_142 : memref<4096xi32, #tpu.memory_space<hbm>>) target(%arg7 : memref<4096xi32, #tpu.memory_space<vmem>>) target_semaphore(%run_scoped3A : memref<!tpu.dma_semaphore, #tpu.memory_space<semaphore_mem>>)
      %dma_wait3A_143 = tpu.memref_slice %arg4[%select_n3A, %mul3A_20] : memref<8x16384xi32, #tpu.memory_space<hbm>> -> memref<1x4096xi32, #tpu.memory_space<hbm>>
      %dma_wait3A_144 = tpu.memref_squeeze %dma_wait3A_143 : memref<1x4096xi32, #tpu.memory_space<hbm>> -> memref<4096xi32, #tpu.memory_space<hbm>>
      %dma_wait3A_145 = tpu.memref_slice %arg4[%select_n3A, %mul3A_20] : memref<8x16384xi32, #tpu.memory_space<hbm>> -> memref<1x4096xi32, #tpu.memory_space<hbm>>
      %dma_wait3A_146 = tpu.memref_squeeze %dma_wait3A_145 : memref<1x4096xi32, #tpu.memory_space<hbm>> -> memref<4096xi32, #tpu.memory_space<hbm>>
      tpu.wait_dma2 semaphore(%run_scoped3A : memref<!tpu.dma_semaphore, #tpu.memory_space<semaphore_mem>>) src(%dma_wait3A_146 : memref<4096xi32, #tpu.memory_space<hbm>>) dst(%arg7 : memref<4096xi32, #tpu.memory_space<vmem>>)
      tpu.yield
    }) : () -> ()
    %scan3A = arith.constant 0 : i32
    %scan3A_23 = arith.constant 0 : i32
    %scan3A_24 = arith.constant 32 : i32
    %scan3A_25 = arith.addi %scan3A_23, %scan3A_24 : i32
    %scan3A_26 = arith.constant 1 : i32
    scf.for %scan3A_139 = %scan3A_23 to %scan3A_25 step %scan3A_26  : i32 {
      %mul3A_140 = arith.constant 128 : i32
      %mul3A_141 = arith.muli %scan3A_139, %mul3A_140 : i32
      %add3A_142 = arith.constant 0 : i32
      %add3A_143 = arith.addi %mul3A_141, %add3A_142 : i32
      %get3A_144 = arith.index_cast %add3A_143 : i32 to index
      %get3A_145 = tpu.vector_load %arg7[%get3A_144] {strides = array<i32>} : memref<4096xi32, #tpu.memory_space<vmem>>, vector<16xi32>,
      %get3A_146 = vector.shape_cast %get3A_145 : vector<16xi32> to vector<16xi32>
      %and3A_147 = arith.constant -4096 : i32
      %and3A_148 = vector.broadcast %and3A_147 : i32 to vector<16xi32>
      %and3A_149 = arith.andi %get3A_146, %and3A_148 : vector<16xi32>
      %and3A_150 = arith.constant 384 : i32
      %and3A_151 = vector.broadcast %and3A_150 : i32 to vector<16xi32>
      %and3A_152 = arith.andi %get3A_146, %and3A_151 : vector<16xi32>
      %shift_left3A = arith.constant 3 : i32
      %shift_left3A_153 = vector.broadcast %shift_left3A : i32 to vector<16xi32>
      %shift_left3A_154 = arith.shli %and3A_152, %shift_left3A_153 : vector<16xi32>
      %or3A = arith.ori %and3A_149, %shift_left3A_154 : vector<16xi32>
      %and3A_155 = arith.constant 3584 : i32
      %and3A_156 = vector.broadcast %and3A_155 : i32 to vector<16xi32>
      %and3A_157 = arith.andi %get3A_146, %and3A_156 : vector<16xi32>
      %shift_right_arithmetic3A = arith.constant 2 : i32
      %shift_right_arithmetic3A_158 = vector.broadcast %shift_right_arithmetic3A : i32 to vector<16xi32>
      %shift_right_arithmetic3A_159 = arith.shrsi %and3A_157, %shift_right_arithmetic3A_158 : vector<16xi32>
      %or3A_160 = arith.ori %or3A, %shift_right_arithmetic3A_159 : vector<16xi32>
      %and3A_161 = arith.constant 127 : i32
      %and3A_162 = vector.broadcast %and3A_161 : i32 to vector<16xi32>
      %and3A_163 = arith.andi %get3A_146, %and3A_162 : vector<16xi32>
      %or3A_164 = arith.ori %or3A_160, %and3A_163 : vector<16xi32>
      %add3A_165 = vector.broadcast %mul3A_22 : i32 to vector<16xi32>
      %add3A_166 = arith.addi %or3A_164, %add3A_165 : vector<16xi32>
      %swap3A = arith.index_cast %add3A_143 : i32 to index
      %swap3A_167 = tpu.vector_load %arg6[%swap3A] {strides = array<i32>} : memref<4096xi32, #tpu.memory_space<vmem>>, vector<16xi32>,
      %swap3A_168 = vector.shape_cast %swap3A_167 : vector<16xi32> to vector<16xi32>
      %swap3A_169 = vector.shape_cast %add3A_166 : vector<16xi32> to vector<16xi32>
      tpu.vector_store %arg6[%swap3A], %swap3A_169 {strides = array<i32>} : memref<4096xi32, #tpu.memory_space<vmem>>, vector<16xi32>,
      %mul3A_170 = arith.constant 128 : i32
      %mul3A_171 = arith.muli %scan3A_139, %mul3A_170 : i32
      %add3A_172 = arith.constant 16 : i32
      %add3A_173 = arith.addi %mul3A_171, %add3A_172 : i32
      %get3A_174 = arith.index_cast %add3A_173 : i32 to index
      %get3A_175 = tpu.vector_load %arg7[%get3A_174] {strides = array<i32>} : memref<4096xi32, #tpu.memory_space<vmem>>, vector<16xi32>,
      %get3A_176 = vector.shape_cast %get3A_175 : vector<16xi32> to vector<16xi32>
      %and3A_177 = arith.constant -4096 : i32
      %and3A_178 = vector.broadcast %and3A_177 : i32 to vector<16xi32>
      %and3A_179 = arith.andi %get3A_176, %and3A_178 : vector<16xi32>
      %and3A_180 = arith.constant 384 : i32
      %and3A_181 = vector.broadcast %and3A_180 : i32 to vector<16xi32>
      %and3A_182 = arith.andi %get3A_176, %and3A_181 : vector<16xi32>
      %shift_left3A_183 = arith.constant 3 : i32
      %shift_left3A_184 = vector.broadcast %shift_left3A_183 : i32 to vector<16xi32>
      %shift_left3A_185 = arith.shli %and3A_182, %shift_left3A_184 : vector<16xi32>
      %or3A_186 = arith.ori %and3A_179, %shift_left3A_185 : vector<16xi32>
      %and3A_187 = arith.constant 3584 : i32
      %and3A_188 = vector.broadcast %and3A_187 : i32 to vector<16xi32>
      %and3A_189 = arith.andi %get3A_176, %and3A_188 : vector<16xi32>
      %shift_right_arithmetic3A_190 = arith.constant 2 : i32
      %shift_right_arithmetic3A_191 = vector.broadcast %shift_right_arithmetic3A_190 : i32 to vector<16xi32>
      %shift_right_arithmetic3A_192 = arith.shrsi %and3A_189, %shift_right_arithmetic3A_191 : vector<16xi32>
      %or3A_193 = arith.ori %or3A_186, %shift_right_arithmetic3A_192 : vector<16xi32>
      %and3A_194 = arith.constant 127 : i32
      %and3A_195 = vector.broadcast %and3A_194 : i32 to vector<16xi32>
      %and3A_196 = arith.andi %get3A_176, %and3A_195 : vector<16xi32>
      %or3A_197 = arith.ori %or3A_193, %and3A_196 : vector<16xi32>
      %add3A_198 = vector.broadcast %mul3A_22 : i32 to vector<16xi32>
      %add3A_199 = arith.addi %or3A_197, %add3A_198 : vector<16xi32>
      %swap3A_200 = arith.index_cast %add3A_173 : i32 to index
      %swap3A_201 = tpu.vector_load %arg6[%swap3A_200] {strides = array<i32>} : memref<4096xi32, #tpu.memory_space<vmem>>, vector<16xi32>,
      %swap3A_202 = vector.shape_cast %swap3A_201 : vector<16xi32> to vector<16xi32>
      %swap3A_203 = vector.shape_cast %add3A_199 : vector<16xi32> to vector<16xi32>
      tpu.vector_store %arg6[%swap3A_200], %swap3A_203 {strides = array<i32>} : memref<4096xi32, #tpu.memory_space<vmem>>, vector<16xi32>,
      %mul3A_204 = arith.constant 128 : i32
      %mul3A_205 = arith.muli %scan3A_139, %mul3A_204 : i32
      %add3A_206 = arith.constant 32 : i32
      %add3A_207 = arith.addi %mul3A_205, %add3A_206 : i32
      %get3A_208 = arith.index_cast %add3A_207 : i32 to index
      %get3A_209 = tpu.vector_load %arg7[%get3A_208] {strides = array<i32>} : memref<4096xi32, #tpu.memory_space<vmem>>, vector<16xi32>,
      %get3A_210 = vector.shape_cast %get3A_209 : vector<16xi32> to vector<16xi32>
      %and3A_211 = arith.constant -4096 : i32
      %and3A_212 = vector.broadcast %and3A_211 : i32 to vector<16xi32>
      %and3A_213 = arith.andi %get3A_210, %and3A_212 : vector<16xi32>
      %and3A_214 = arith.constant 384 : i32
      %and3A_215 = vector.broadcast %and3A_214 : i32 to vector<16xi32>
      %and3A_216 = arith.andi %get3A_210, %and3A_215 : vector<16xi32>
      %shift_left3A_217 = arith.constant 3 : i32
      %shift_left3A_218 = vector.broadcast %shift_left3A_217 : i32 to vector<16xi32>
      %shift_left3A_219 = arith.shli %and3A_216, %shift_left3A_218 : vector<16xi32>
      %or3A_220 = arith.ori %and3A_213, %shift_left3A_219 : vector<16xi32>
      %and3A_221 = arith.constant 3584 : i32
      %and3A_222 = vector.broadcast %and3A_221 : i32 to vector<16xi32>
      %and3A_223 = arith.andi %get3A_210, %and3A_222 : vector<16xi32>
      %shift_right_arithmetic3A_224 = arith.constant 2 : i32
      %shift_right_arithmetic3A_225 = vector.broadcast %shift_right_arithmetic3A_224 : i32 to vector<16xi32>
      %shift_right_arithmetic3A_226 = arith.shrsi %and3A_223, %shift_right_arithmetic3A_225 : vector<16xi32>
      %or3A_227 = arith.ori %or3A_220, %shift_right_arithmetic3A_226 : vector<16xi32>
      %and3A_228 = arith.constant 127 : i32
      %and3A_229 = vector.broadcast %and3A_228 : i32 to vector<16xi32>
      %and3A_230 = arith.andi %get3A_210, %and3A_229 : vector<16xi32>
      %or3A_231 = arith.ori %or3A_227, %and3A_230 : vector<16xi32>
      %add3A_232 = vector.broadcast %mul3A_22 : i32 to vector<16xi32>
      %add3A_233 = arith.addi %or3A_231, %add3A_232 : vector<16xi32>
      %swap3A_234 = arith.index_cast %add3A_207 : i32 to index
      %swap3A_235 = tpu.vector_load %arg6[%swap3A_234] {strides = array<i32>} : memref<4096xi32, #tpu.memory_space<vmem>>, vector<16xi32>,
      %swap3A_236 = vector.shape_cast %swap3A_235 : vector<16xi32> to vector<16xi32>
      %swap3A_237 = vector.shape_cast %add3A_233 : vector<16xi32> to vector<16xi32>
      tpu.vector_store %arg6[%swap3A_234], %swap3A_237 {strides = array<i32>} : memref<4096xi32, #tpu.memory_space<vmem>>, vector<16xi32>,
      %mul3A_238 = arith.constant 128 : i32
      %mul3A_239 = arith.muli %scan3A_139, %mul3A_238 : i32
      %add3A_240 = arith.constant 48 : i32
      %add3A_241 = arith.addi %mul3A_239, %add3A_240 : i32
      %get3A_242 = arith.index_cast %add3A_241 : i32 to index
      %get3A_243 = tpu.vector_load %arg7[%get3A_242] {strides = array<i32>} : memref<4096xi32, #tpu.memory_space<vmem>>, vector<16xi32>,
      %get3A_244 = vector.shape_cast %get3A_243 : vector<16xi32> to vector<16xi32>
      %and3A_245 = arith.constant -4096 : i32
      %and3A_246 = vector.broadcast %and3A_245 : i32 to vector<16xi32>
      %and3A_247 = arith.andi %get3A_244, %and3A_246 : vector<16xi32>
      %and3A_248 = arith.constant 384 : i32
      %and3A_249 = vector.broadcast %and3A_248 : i32 to vector<16xi32>
      %and3A_250 = arith.andi %get3A_244, %and3A_249 : vector<16xi32>
      %shift_left3A_251 = arith.constant 3 : i32
      %shift_left3A_252 = vector.broadcast %shift_left3A_251 : i32 to vector<16xi32>
      %shift_left3A_253 = arith.shli %and3A_250, %shift_left3A_252 : vector<16xi32>
      %or3A_254 = arith.ori %and3A_247, %shift_left3A_253 : vector<16xi32>
      %and3A_255 = arith.constant 3584 : i32
      %and3A_256 = vector.broadcast %and3A_255 : i32 to vector<16xi32>
      %and3A_257 = arith.andi %get3A_244, %and3A_256 : vector<16xi32>
      %shift_right_arithmetic3A_258 = arith.constant 2 : i32
      %shift_right_arithmetic3A_259 = vector.broadcast %shift_right_arithmetic3A_258 : i32 to vector<16xi32>
      %shift_right_arithmetic3A_260 = arith.shrsi %and3A_257, %shift_right_arithmetic3A_259 : vector<16xi32>
      %or3A_261 = arith.ori %or3A_254, %shift_right_arithmetic3A_260 : vector<16xi32>
      %and3A_262 = arith.constant 127 : i32
      %and3A_263 = vector.broadcast %and3A_262 : i32 to vector<16xi32>
      %and3A_264 = arith.andi %get3A_244, %and3A_263 : vector<16xi32>
      %or3A_265 = arith.ori %or3A_261, %and3A_264 : vector<16xi32>
      %add3A_266 = vector.broadcast %mul3A_22 : i32 to vector<16xi32>
      %add3A_267 = arith.addi %or3A_265, %add3A_266 : vector<16xi32>
      %swap3A_268 = arith.index_cast %add3A_241 : i32 to index
      %swap3A_269 = tpu.vector_load %arg6[%swap3A_268] {strides = array<i32>} : memref<4096xi32, #tpu.memory_space<vmem>>, vector<16xi32>,
      %swap3A_270 = vector.shape_cast %swap3A_269 : vector<16xi32> to vector<16xi32>
      %swap3A_271 = vector.shape_cast %add3A_267 : vector<16xi32> to vector<16xi32>
      tpu.vector_store %arg6[%swap3A_268], %swap3A_271 {strides = array<i32>} : memref<4096xi32, #tpu.memory_space<vmem>>, vector<16xi32>,
      %mul3A_272 = arith.constant 128 : i32
      %mul3A_273 = arith.muli %scan3A_139, %mul3A_272 : i32
      %add3A_274 = arith.constant 64 : i32
      %add3A_275 = arith.addi %mul3A_273, %add3A_274 : i32
      %get3A_276 = arith.index_cast %add3A_275 : i32 to index
      %get3A_277 = tpu.vector_load %arg7[%get3A_276] {strides = array<i32>} : memref<4096xi32, #tpu.memory_space<vmem>>, vector<16xi32>,
      %get3A_278 = vector.shape_cast %get3A_277 : vector<16xi32> to vector<16xi32>
      %and3A_279 = arith.constant -4096 : i32
      %and3A_280 = vector.broadcast %and3A_279 : i32 to vector<16xi32>
      %and3A_281 = arith.andi %get3A_278, %and3A_280 : vector<16xi32>
      %and3A_282 = arith.constant 384 : i32
      %and3A_283 = vector.broadcast %and3A_282 : i32 to vector<16xi32>
      %and3A_284 = arith.andi %get3A_278, %and3A_283 : vector<16xi32>
      %shift_left3A_285 = arith.constant 3 : i32
      %shift_left3A_286 = vector.broadcast %shift_left3A_285 : i32 to vector<16xi32>
      %shift_left3A_287 = arith.shli %and3A_284, %shift_left3A_286 : vector<16xi32>
      %or3A_288 = arith.ori %and3A_281, %shift_left3A_287 : vector<16xi32>
      %and3A_289 = arith.constant 3584 : i32
      %and3A_290 = vector.broadcast %and3A_289 : i32 to vector<16xi32>
      %and3A_291 = arith.andi %get3A_278, %and3A_290 : vector<16xi32>
      %shift_right_arithmetic3A_292 = arith.constant 2 : i32
      %shift_right_arithmetic3A_293 = vector.broadcast %shift_right_arithmetic3A_292 : i32 to vector<16xi32>
      %shift_right_arithmetic3A_294 = arith.shrsi %and3A_291, %shift_right_arithmetic3A_293 : vector<16xi32>
      %or3A_295 = arith.ori %or3A_288, %shift_right_arithmetic3A_294 : vector<16xi32>
      %and3A_296 = arith.constant 127 : i32
      %and3A_297 = vector.broadcast %and3A_296 : i32 to vector<16xi32>
      %and3A_298 = arith.andi %get3A_278, %and3A_297 : vector<16xi32>
      %or3A_299 = arith.ori %or3A_295, %and3A_298 : vector<16xi32>
      %add3A_300 = vector.broadcast %mul3A_22 : i32 to vector<16xi32>
      %add3A_301 = arith.addi %or3A_299, %add3A_300 : vector<16xi32>
      %swap3A_302 = arith.index_cast %add3A_275 : i32 to index
      %swap3A_303 = tpu.vector_load %arg6[%swap3A_302] {strides = array<i32>} : memref<4096xi32, #tpu.memory_space<vmem>>, vector<16xi32>,
      %swap3A_304 = vector.shape_cast %swap3A_303 : vector<16xi32> to vector<16xi32>
      %swap3A_305 = vector.shape_cast %add3A_301 : vector<16xi32> to vector<16xi32>
      tpu.vector_store %arg6[%swap3A_302], %swap3A_305 {strides = array<i32>} : memref<4096xi32, #tpu.memory_space<vmem>>, vector<16xi32>,
      %mul3A_306 = arith.constant 128 : i32
      %mul3A_307 = arith.muli %scan3A_139, %mul3A_306 : i32
      %add3A_308 = arith.constant 80 : i32
      %add3A_309 = arith.addi %mul3A_307, %add3A_308 : i32
      %get3A_310 = arith.index_cast %add3A_309 : i32 to index
      %get3A_311 = tpu.vector_load %arg7[%get3A_310] {strides = array<i32>} : memref<4096xi32, #tpu.memory_space<vmem>>, vector<16xi32>,
      %get3A_312 = vector.shape_cast %get3A_311 : vector<16xi32> to vector<16xi32>
      %and3A_313 = arith.constant -4096 : i32
      %and3A_314 = vector.broadcast %and3A_313 : i32 to vector<16xi32>
      %and3A_315 = arith.andi %get3A_312, %and3A_314 : vector<16xi32>
      %and3A_316 = arith.constant 384 : i32
      %and3A_317 = vector.broadcast %and3A_316 : i32 to vector<16xi32>
      %and3A_318 = arith.andi %get3A_312, %and3A_317 : vector<16xi32>
      %shift_left3A_319 = arith.constant 3 : i32
      %shift_left3A_320 = vector.broadcast %shift_left3A_319 : i32 to vector<16xi32>
      %shift_left3A_321 = arith.shli %and3A_318, %shift_left3A_320 : vector<16xi32>
      %or3A_322 = arith.ori %and3A_315, %shift_left3A_321 : vector<16xi32>
      %and3A_323 = arith.constant 3584 : i32
      %and3A_324 = vector.broadcast %and3A_323 : i32 to vector<16xi32>
      %and3A_325 = arith.andi %get3A_312, %and3A_324 : vector<16xi32>
      %shift_right_arithmetic3A_326 = arith.constant 2 : i32
      %shift_right_arithmetic3A_327 = vector.broadcast %shift_right_arithmetic3A_326 : i32 to vector<16xi32>
      %shift_right_arithmetic3A_328 = arith.shrsi %and3A_325, %shift_right_arithmetic3A_327 : vector<16xi32>
      %or3A_329 = arith.ori %or3A_322, %shift_right_arithmetic3A_328 : vector<16xi32>
      %and3A_330 = arith.constant 127 : i32
      %and3A_331 = vector.broadcast %and3A_330 : i32 to vector<16xi32>
      %and3A_332 = arith.andi %get3A_312, %and3A_331 : vector<16xi32>
      %or3A_333 = arith.ori %or3A_329, %and3A_332 : vector<16xi32>
      %add3A_334 = vector.broadcast %mul3A_22 : i32 to vector<16xi32>
      %add3A_335 = arith.addi %or3A_333, %add3A_334 : vector<16xi32>
      %swap3A_336 = arith.index_cast %add3A_309 : i32 to index
      %swap3A_337 = tpu.vector_load %arg6[%swap3A_336] {strides = array<i32>} : memref<4096xi32, #tpu.memory_space<vmem>>, vector<16xi32>,
      %swap3A_338 = vector.shape_cast %swap3A_337 : vector<16xi32> to vector<16xi32>
      %swap3A_339 = vector.shape_cast %add3A_335 : vector<16xi32> to vector<16xi32>
      tpu.vector_store %arg6[%swap3A_336], %swap3A_339 {strides = array<i32>} : memref<4096xi32, #tpu.memory_space<vmem>>, vector<16xi32>,
      %mul3A_340 = arith.constant 128 : i32
      %mul3A_341 = arith.muli %scan3A_139, %mul3A_340 : i32
      %add3A_342 = arith.constant 96 : i32
      %add3A_343 = arith.addi %mul3A_341, %add3A_342 : i32
      %get3A_344 = arith.index_cast %add3A_343 : i32 to index
      %get3A_345 = tpu.vector_load %arg7[%get3A_344] {strides = array<i32>} : memref<4096xi32, #tpu.memory_space<vmem>>, vector<16xi32>,
      %get3A_346 = vector.shape_cast %get3A_345 : vector<16xi32> to vector<16xi32>
      %and3A_347 = arith.constant -4096 : i32
      %and3A_348 = vector.broadcast %and3A_347 : i32 to vector<16xi32>
      %and3A_349 = arith.andi %get3A_346, %and3A_348 : vector<16xi32>
      %and3A_350 = arith.constant 384 : i32
      %and3A_351 = vector.broadcast %and3A_350 : i32 to vector<16xi32>
      %and3A_352 = arith.andi %get3A_346, %and3A_351 : vector<16xi32>
      %shift_left3A_353 = arith.constant 3 : i32
      %shift_left3A_354 = vector.broadcast %shift_left3A_353 : i32 to vector<16xi32>
      %shift_left3A_355 = arith.shli %and3A_352, %shift_left3A_354 : vector<16xi32>
      %or3A_356 = arith.ori %and3A_349, %shift_left3A_355 : vector<16xi32>
      %and3A_357 = arith.constant 3584 : i32
      %and3A_358 = vector.broadcast %and3A_357 : i32 to vector<16xi32>
      %and3A_359 = arith.andi %get3A_346, %and3A_358 : vector<16xi32>
      %shift_right_arithmetic3A_360 = arith.constant 2 : i32
      %shift_right_arithmetic3A_361 = vector.broadcast %shift_right_arithmetic3A_360 : i32 to vector<16xi32>
      %shift_right_arithmetic3A_362 = arith.shrsi %and3A_359, %shift_right_arithmetic3A_361 : vector<16xi32>
      %or3A_363 = arith.ori %or3A_356, %shift_right_arithmetic3A_362 : vector<16xi32>
      %and3A_364 = arith.constant 127 : i32
      %and3A_365 = vector.broadcast %and3A_364 : i32 to vector<16xi32>
      %and3A_366 = arith.andi %get3A_346, %and3A_365 : vector<16xi32>
      %or3A_367 = arith.ori %or3A_363, %and3A_366 : vector<16xi32>
      %add3A_368 = vector.broadcast %mul3A_22 : i32 to vector<16xi32>
      %add3A_369 = arith.addi %or3A_367, %add3A_368 : vector<16xi32>
      %swap3A_370 = arith.index_cast %add3A_343 : i32 to index
      %swap3A_371 = tpu.vector_load %arg6[%swap3A_370] {strides = array<i32>} : memref<4096xi32, #tpu.memory_space<vmem>>, vector<16xi32>,
      %swap3A_372 = vector.shape_cast %swap3A_371 : vector<16xi32> to vector<16xi32>
      %swap3A_373 = vector.shape_cast %add3A_369 : vector<16xi32> to vector<16xi32>
      tpu.vector_store %arg6[%swap3A_370], %swap3A_373 {strides = array<i32>} : memref<4096xi32, #tpu.memory_space<vmem>>, vector<16xi32>,
      %mul3A_374 = arith.constant 128 : i32
      %mul3A_375 = arith.muli %scan3A_139, %mul3A_374 : i32
      %add3A_376 = arith.constant 112 : i32
      %add3A_377 = arith.addi %mul3A_375, %add3A_376 : i32
      %get3A_378 = arith.index_cast %add3A_377 : i32 to index
      %get3A_379 = tpu.vector_load %arg7[%get3A_378] {strides = array<i32>} : memref<4096xi32, #tpu.memory_space<vmem>>, vector<16xi32>,
      %get3A_380 = vector.shape_cast %get3A_379 : vector<16xi32> to vector<16xi32>
      %and3A_381 = arith.constant -4096 : i32
      %and3A_382 = vector.broadcast %and3A_381 : i32 to vector<16xi32>
      %and3A_383 = arith.andi %get3A_380, %and3A_382 : vector<16xi32>
      %and3A_384 = arith.constant 384 : i32
      %and3A_385 = vector.broadcast %and3A_384 : i32 to vector<16xi32>
      %and3A_386 = arith.andi %get3A_380, %and3A_385 : vector<16xi32>
      %shift_left3A_387 = arith.constant 3 : i32
      %shift_left3A_388 = vector.broadcast %shift_left3A_387 : i32 to vector<16xi32>
      %shift_left3A_389 = arith.shli %and3A_386, %shift_left3A_388 : vector<16xi32>
      %or3A_390 = arith.ori %and3A_383, %shift_left3A_389 : vector<16xi32>
      %and3A_391 = arith.constant 3584 : i32
      %and3A_392 = vector.broadcast %and3A_391 : i32 to vector<16xi32>
      %and3A_393 = arith.andi %get3A_380, %and3A_392 : vector<16xi32>
      %shift_right_arithmetic3A_394 = arith.constant 2 : i32
      %shift_right_arithmetic3A_395 = vector.broadcast %shift_right_arithmetic3A_394 : i32 to vector<16xi32>
      %shift_right_arithmetic3A_396 = arith.shrsi %and3A_393, %shift_right_arithmetic3A_395 : vector<16xi32>
      %or3A_397 = arith.ori %or3A_390, %shift_right_arithmetic3A_396 : vector<16xi32>
      %and3A_398 = arith.constant 127 : i32
      %and3A_399 = vector.broadcast %and3A_398 : i32 to vector<16xi32>
      %and3A_400 = arith.andi %get3A_380, %and3A_399 : vector<16xi32>
      %or3A_401 = arith.ori %or3A_397, %and3A_400 : vector<16xi32>
      %add3A_402 = vector.broadcast %mul3A_22 : i32 to vector<16xi32>
      %add3A_403 = arith.addi %or3A_401, %add3A_402 : vector<16xi32>
      %swap3A_404 = arith.index_cast %add3A_377 : i32 to index
      %swap3A_405 = tpu.vector_load %arg6[%swap3A_404] {strides = array<i32>} : memref<4096xi32, #tpu.memory_space<vmem>>, vector<16xi32>,
      %swap3A_406 = vector.shape_cast %swap3A_405 : vector<16xi32> to vector<16xi32>
      %swap3A_407 = vector.shape_cast %add3A_403 : vector<16xi32> to vector<16xi32>
      tpu.vector_store %arg6[%swap3A_404], %swap3A_407 {strides = array<i32>} : memref<4096xi32, #tpu.memory_space<vmem>>, vector<16xi32>,
      %mul3A_408 = arith.constant 128 : i32
      %mul3A_409 = arith.muli %scan3A_139, %mul3A_408 : i32
      %mul3A_410 = arith.constant 128 : i32
      %mul3A_411 = arith.muli %scan3A_139, %mul3A_410 : i32
      %dma_start3A_412 = tpu.memref_slice %arg8[%mul3A_411] : memref<4096xf32, #tpu.memory_space<vmem>> -> memref<128xf32, #tpu.memory_space<vmem>>
      %dma_start3A_413 = tpu.memref_slice %arg6[%mul3A_409] : memref<4096xi32, #tpu.memory_space<vmem>> -> memref<128xi32, #tpu.memory_space<vmem>>
      %dma_start3A_414 = arith.constant 0 : i32
      %dma_start3A_415 = tpu.memref_slice %arg2[%dma_start3A_414] : memref<1572864xf32, #tpu.memory_space<hbm>> -> memref<1572864xf32, #tpu.memory_space<hbm>>
      tpu.enqueue_indirect_dma source(%dma_start3A_415 : memref<1572864xf32, #tpu.memory_space<hbm>>) target(%dma_start3A_412 : memref<128xf32, #tpu.memory_space<vmem>>) offsets(%dma_start3A_413 : memref<128xi32, #tpu.memory_space<vmem>>) semaphore(%arg11 : memref<!tpu.dma_semaphore, #tpu.memory_space<semaphore_mem>>)
    }
    %scan3A_27 = arith.constant 32 : i32
    "tpu.region"() ({
      %run_scoped3A = tpu.sem_alloc : memref<!tpu.dma_semaphore, #tpu.memory_space<semaphore_mem>>
      %dma_start3A_139 = arith.constant 0 : i32
      %dma_start3A_140 = arith.constant 0 : i32
      %dma_start3A_141 = tpu.memref_slice %arg3[%select_n3A, %dma_start3A_139, %dma_start3A_140] : memref<8x9x16xf32, #tpu.memory_space<hbm>> -> memref<1x9x16xf32, #tpu.memory_space<hbm>>
      %dma_start3A_142 = tpu.memref_squeeze %dma_start3A_141 : memref<1x9x16xf32, #tpu.memory_space<hbm>> -> memref<9x16xf32, #tpu.memory_space<hbm>>
      %dma_start3A_143 = arith.constant 0 : i32
      %dma_start3A_144 = arith.constant 0 : i32
      %dma_start3A_145 = tpu.memref_slice %arg3[%select_n3A, %dma_start3A_143, %dma_start3A_144] : memref<8x9x16xf32, #tpu.memory_space<hbm>> -> memref<1x9x16xf32, #tpu.memory_space<hbm>>
      %dma_start3A_146 = tpu.memref_squeeze %dma_start3A_145 : memref<1x9x16xf32, #tpu.memory_space<hbm>> -> memref<9x16xf32, #tpu.memory_space<hbm>>
      tpu.enqueue_dma source(%dma_start3A_146 : memref<9x16xf32, #tpu.memory_space<hbm>>) target(%arg9 : memref<9x16xf32, #tpu.memory_space<vmem>>) target_semaphore(%run_scoped3A : memref<!tpu.dma_semaphore, #tpu.memory_space<semaphore_mem>>)
      %dma_wait3A_147 = arith.constant 0 : i32
      %dma_wait3A_148 = arith.constant 0 : i32
      %dma_wait3A_149 = tpu.memref_slice %arg3[%select_n3A, %dma_wait3A_147, %dma_wait3A_148] : memref<8x9x16xf32, #tpu.memory_space<hbm>> -> memref<1x9x16xf32, #tpu.memory_space<hbm>>
      %dma_wait3A_150 = tpu.memref_squeeze %dma_wait3A_149 : memref<1x9x16xf32, #tpu.memory_space<hbm>> -> memref<9x16xf32, #tpu.memory_space<hbm>>
      %dma_wait3A_151 = arith.constant 0 : i32
      %dma_wait3A_152 = arith.constant 0 : i32
      %dma_wait3A_153 = tpu.memref_slice %arg3[%select_n3A, %dma_wait3A_151, %dma_wait3A_152] : memref<8x9x16xf32, #tpu.memory_space<hbm>> -> memref<1x9x16xf32, #tpu.memory_space<hbm>>
      %dma_wait3A_154 = tpu.memref_squeeze %dma_wait3A_153 : memref<1x9x16xf32, #tpu.memory_space<hbm>> -> memref<9x16xf32, #tpu.memory_space<hbm>>
      tpu.wait_dma2 semaphore(%run_scoped3A : memref<!tpu.dma_semaphore, #tpu.memory_space<semaphore_mem>>) src(%dma_wait3A_154 : memref<9x16xf32, #tpu.memory_space<hbm>>) dst(%arg9 : memref<9x16xf32, #tpu.memory_space<vmem>>)
      tpu.yield
    }) : () -> ()
    %get3A = arith.constant 0 : i32
    %get3A_28 = arith.index_cast %get3A : i32 to index
    %get3A_29 = arith.constant 0 : index
    %get3A_30 = tpu.vector_load %arg9[%get3A_28, %get3A_29] {strides = array<i32>} : memref<9x16xf32, #tpu.memory_space<vmem>>, vector<1x16xf32>,
    %get3A_31 = vector.shape_cast %get3A_30 : vector<1x16xf32> to vector<16xf32>
    %get3A_32 = arith.constant 1 : i32
    %get3A_33 = arith.index_cast %get3A_32 : i32 to index
    %get3A_34 = arith.constant 0 : index
    %get3A_35 = tpu.vector_load %arg9[%get3A_33, %get3A_34] {strides = array<i32>} : memref<9x16xf32, #tpu.memory_space<vmem>>, vector<1x16xf32>,
    %get3A_36 = vector.shape_cast %get3A_35 : vector<1x16xf32> to vector<16xf32>
    %get3A_37 = arith.constant 2 : i32
    %get3A_38 = arith.index_cast %get3A_37 : i32 to index
    %get3A_39 = arith.constant 0 : index
    %get3A_40 = tpu.vector_load %arg9[%get3A_38, %get3A_39] {strides = array<i32>} : memref<9x16xf32, #tpu.memory_space<vmem>>, vector<1x16xf32>,
    %get3A_41 = vector.shape_cast %get3A_40 : vector<1x16xf32> to vector<16xf32>
    %get3A_42 = arith.constant 3 : i32
    %get3A_43 = arith.index_cast %get3A_42 : i32 to index
    %get3A_44 = arith.constant 0 : index
    %get3A_45 = tpu.vector_load %arg9[%get3A_43, %get3A_44] {strides = array<i32>} : memref<9x16xf32, #tpu.memory_space<vmem>>, vector<1x16xf32>,
    %get3A_46 = vector.shape_cast %get3A_45 : vector<1x16xf32> to vector<16xf32>
    %get3A_47 = arith.constant 4 : i32
    %get3A_48 = arith.index_cast %get3A_47 : i32 to index
    %get3A_49 = arith.constant 0 : index
    %get3A_50 = tpu.vector_load %arg9[%get3A_48, %get3A_49] {strides = array<i32>} : memref<9x16xf32, #tpu.memory_space<vmem>>, vector<1x16xf32>,
    %get3A_51 = vector.shape_cast %get3A_50 : vector<1x16xf32> to vector<16xf32>
    %get3A_52 = arith.constant 5 : i32
    %get3A_53 = arith.index_cast %get3A_52 : i32 to index
    %get3A_54 = arith.constant 0 : index
    %get3A_55 = tpu.vector_load %arg9[%get3A_53, %get3A_54] {strides = array<i32>} : memref<9x16xf32, #tpu.memory_space<vmem>>, vector<1x16xf32>,
    %get3A_56 = vector.shape_cast %get3A_55 : vector<1x16xf32> to vector<16xf32>
    %get3A_57 = arith.constant 6 : i32
    %get3A_58 = arith.index_cast %get3A_57 : i32 to index
    %get3A_59 = arith.constant 0 : index
    %get3A_60 = tpu.vector_load %arg9[%get3A_58, %get3A_59] {strides = array<i32>} : memref<9x16xf32, #tpu.memory_space<vmem>>, vector<1x16xf32>,
    %get3A_61 = vector.shape_cast %get3A_60 : vector<1x16xf32> to vector<16xf32>
    %get3A_62 = arith.constant 7 : i32
    %get3A_63 = arith.index_cast %get3A_62 : i32 to index
    %get3A_64 = arith.constant 0 : index
    %get3A_65 = tpu.vector_load %arg9[%get3A_63, %get3A_64] {strides = array<i32>} : memref<9x16xf32, #tpu.memory_space<vmem>>, vector<1x16xf32>,
    %get3A_66 = vector.shape_cast %get3A_65 : vector<1x16xf32> to vector<16xf32>
    %get3A_67 = arith.constant 8 : i32
    %get3A_68 = arith.index_cast %get3A_67 : i32 to index
    %get3A_69 = arith.constant 0 : index
    %get3A_70 = tpu.vector_load %arg9[%get3A_68, %get3A_69] {strides = array<i32>} : memref<9x16xf32, #tpu.memory_space<vmem>>, vector<1x16xf32>,
    %get3A_71 = vector.shape_cast %get3A_70 : vector<1x16xf32> to vector<16xf32>
    %broadcast_in_dim3A = arith.constant 1.000000e+00 : f32
    %broadcast_in_dim3A_72 = vector.broadcast %broadcast_in_dim3A : f32 to vector<16xf32>
    %dma_wait3A = arith.constant 0 : i32
    %dma_wait3A_73 = tpu.memref_slice %arg2[%dma_wait3A] : memref<1572864xf32, #tpu.memory_space<hbm>> -> memref<4096xf32, #tpu.memory_space<hbm>>
    %dma_wait3A_74 = arith.constant 0 : i32
    %dma_wait3A_75 = tpu.memref_slice %arg2[%dma_wait3A_74] : memref<1572864xf32, #tpu.memory_space<hbm>> -> memref<4096xf32, #tpu.memory_space<hbm>>
    tpu.wait_dma2 semaphore(%arg11 : memref<!tpu.dma_semaphore, #tpu.memory_space<semaphore_mem>>) src(%dma_wait3A_75 : memref<4096xf32, #tpu.memory_space<hbm>>) dst(%arg8 : memref<4096xf32, #tpu.memory_space<vmem>>)
    %scan3A_76 = arith.constant 0 : i32
    %scan3A_77 = arith.constant 0 : i32
    %scan3A_78 = arith.constant 16 : i32
    %scan3A_79 = arith.addi %scan3A_77, %scan3A_78 : i32
    %scan3A_80 = arith.constant 1 : i32
    scf.for %scan3A_139 = %scan3A_77 to %scan3A_79 step %scan3A_80  : i32 {
      %mul3A_140 = arith.constant 128 : i32
      %mul3A_141 = arith.muli %scan3A_139, %mul3A_140 : i32
      %add3A_142 = arith.constant 0 : i32
      %add3A_143 = arith.addi %add3A_142, %mul3A_141 : i32
      %add3A_144 = arith.constant 0 : i32
      %add3A_145 = arith.addi %add3A_143, %add3A_144 : i32
      %get3A_146 = arith.index_cast %add3A_145 : i32 to index
      %get3A_147 = tpu.vector_load %arg7[%get3A_146] {strides = array<i32>} : memref<4096xi32, #tpu.memory_space<vmem>>, vector<16xi32>,
      %get3A_148 = vector.shape_cast %get3A_147 : vector<16xi32> to vector<16xi32>
      %get3A_149 = arith.index_cast %add3A_145 : i32 to index
      %get3A_150 = tpu.vector_load %arg8[%get3A_149] {strides = array<i32>} : memref<4096xf32, #tpu.memory_space<vmem>>, vector<16xf32>,
      %get3A_151 = vector.shape_cast %get3A_150 : vector<16xf32> to vector<16xf32>
      %and3A_152 = arith.constant 511 : i32
      %and3A_153 = vector.broadcast %and3A_152 : i32 to vector<16xi32>
      %and3A_154 = arith.andi %get3A_148, %and3A_153 : vector<16xi32>
      %convert_element_type3A = arith.sitofp %and3A_154 : vector<16xi32> to vector<16xf32>
      %shift_right_arithmetic3A = arith.constant 9 : i32
      %shift_right_arithmetic3A_155 = vector.broadcast %shift_right_arithmetic3A : i32 to vector<16xi32>
      %shift_right_arithmetic3A_156 = arith.shrsi %get3A_148, %shift_right_arithmetic3A_155 : vector<16xi32>
      %convert_element_type3A_157 = arith.sitofp %shift_right_arithmetic3A_156 : vector<16xi32> to vector<16xf32>
      %mul3A_158 = arith.mulf %get3A_31, %convert_element_type3A : vector<16xf32>
      %mul3A_159 = arith.mulf %get3A_36, %convert_element_type3A_157 : vector<16xf32>
      %add3A_160 = arith.addf %mul3A_158, %mul3A_159 : vector<16xf32>
      %add3A_161 = arith.addf %add3A_160, %get3A_41 : vector<16xf32>
      %mul3A_162 = arith.mulf %get3A_151, %add3A_161 : vector<16xf32>
      %swap3A = arith.constant 0 : i32
      %swap3A_163 = arith.index_cast %swap3A : i32 to index
      %swap3A_164 = arith.index_cast %add3A_145 : i32 to index
      %swap3A_165 = tpu.vector_load %arg10[%swap3A_163, %swap3A_164] {strides = array<i32>} : memref<4x4096xf32, #tpu.memory_space<vmem>>, vector<1x16xf32>,
      %swap3A_166 = vector.shape_cast %swap3A_165 : vector<1x16xf32> to vector<16xf32>
      %swap3A_167 = vector.shape_cast %mul3A_162 : vector<16xf32> to vector<1x16xf32>
      tpu.vector_store %arg10[%swap3A_163, %swap3A_164], %swap3A_167 {strides = array<i32>} : memref<4x4096xf32, #tpu.memory_space<vmem>>, vector<1x16xf32>,
      %mul3A_168 = arith.mulf %get3A_46, %convert_element_type3A : vector<16xf32>
      %mul3A_169 = arith.mulf %get3A_51, %convert_element_type3A_157 : vector<16xf32>
      %add3A_170 = arith.addf %mul3A_168, %mul3A_169 : vector<16xf32>
      %add3A_171 = arith.addf %add3A_170, %get3A_56 : vector<16xf32>
      %mul3A_172 = arith.mulf %get3A_151, %add3A_171 : vector<16xf32>
      %swap3A_173 = arith.constant 1 : i32
      %swap3A_174 = arith.index_cast %swap3A_173 : i32 to index
      %swap3A_175 = arith.index_cast %add3A_145 : i32 to index
      %swap3A_176 = tpu.vector_load %arg10[%swap3A_174, %swap3A_175] {strides = array<i32>} : memref<4x4096xf32, #tpu.memory_space<vmem>>, vector<1x16xf32>,
      %swap3A_177 = vector.shape_cast %swap3A_176 : vector<1x16xf32> to vector<16xf32>
      %swap3A_178 = vector.shape_cast %mul3A_172 : vector<16xf32> to vector<1x16xf32>
      tpu.vector_store %arg10[%swap3A_174, %swap3A_175], %swap3A_178 {strides = array<i32>} : memref<4x4096xf32, #tpu.memory_space<vmem>>, vector<1x16xf32>,
      %mul3A_179 = arith.mulf %get3A_61, %convert_element_type3A : vector<16xf32>
      %mul3A_180 = arith.mulf %get3A_66, %convert_element_type3A_157 : vector<16xf32>
      %add3A_181 = arith.addf %mul3A_179, %mul3A_180 : vector<16xf32>
      %add3A_182 = arith.addf %add3A_181, %get3A_71 : vector<16xf32>
      %mul3A_183 = arith.mulf %get3A_151, %add3A_182 : vector<16xf32>
      %swap3A_184 = arith.constant 2 : i32
      %swap3A_185 = arith.index_cast %swap3A_184 : i32 to index
      %swap3A_186 = arith.index_cast %add3A_145 : i32 to index
      %swap3A_187 = tpu.vector_load %arg10[%swap3A_185, %swap3A_186] {strides = array<i32>} : memref<4x4096xf32, #tpu.memory_space<vmem>>, vector<1x16xf32>,
      %swap3A_188 = vector.shape_cast %swap3A_187 : vector<1x16xf32> to vector<16xf32>
      %swap3A_189 = vector.shape_cast %mul3A_183 : vector<16xf32> to vector<1x16xf32>
      tpu.vector_store %arg10[%swap3A_185, %swap3A_186], %swap3A_189 {strides = array<i32>} : memref<4x4096xf32, #tpu.memory_space<vmem>>, vector<1x16xf32>,
      %swap3A_190 = arith.constant 3 : i32
      %swap3A_191 = arith.index_cast %swap3A_190 : i32 to index
      %swap3A_192 = arith.index_cast %add3A_145 : i32 to index
      %swap3A_193 = tpu.vector_load %arg10[%swap3A_191, %swap3A_192] {strides = array<i32>} : memref<4x4096xf32, #tpu.memory_space<vmem>>, vector<1x16xf32>,
      %swap3A_194 = vector.shape_cast %swap3A_193 : vector<1x16xf32> to vector<16xf32>
      %swap3A_195 = vector.shape_cast %broadcast_in_dim3A_72 : vector<16xf32> to vector<1x16xf32>
      tpu.vector_store %arg10[%swap3A_191, %swap3A_192], %swap3A_195 {strides = array<i32>} : memref<4x4096xf32, #tpu.memory_space<vmem>>, vector<1x16xf32>,
      %mul3A_196 = arith.constant 128 : i32
      %mul3A_197 = arith.muli %scan3A_139, %mul3A_196 : i32
      %add3A_198 = arith.constant 0 : i32
      %add3A_199 = arith.addi %add3A_198, %mul3A_197 : i32
      %add3A_200 = arith.constant 16 : i32
      %add3A_201 = arith.addi %add3A_199, %add3A_200 : i32
      %get3A_202 = arith.index_cast %add3A_201 : i32 to index
      %get3A_203 = tpu.vector_load %arg7[%get3A_202] {strides = array<i32>} : memref<4096xi32, #tpu.memory_space<vmem>>, vector<16xi32>,
      %get3A_204 = vector.shape_cast %get3A_203 : vector<16xi32> to vector<16xi32>
      %get3A_205 = arith.index_cast %add3A_201 : i32 to index
      %get3A_206 = tpu.vector_load %arg8[%get3A_205] {strides = array<i32>} : memref<4096xf32, #tpu.memory_space<vmem>>, vector<16xf32>,
      %get3A_207 = vector.shape_cast %get3A_206 : vector<16xf32> to vector<16xf32>
      %and3A_208 = arith.constant 511 : i32
      %and3A_209 = vector.broadcast %and3A_208 : i32 to vector<16xi32>
      %and3A_210 = arith.andi %get3A_204, %and3A_209 : vector<16xi32>
      %convert_element_type3A_211 = arith.sitofp %and3A_210 : vector<16xi32> to vector<16xf32>
      %shift_right_arithmetic3A_212 = arith.constant 9 : i32
      %shift_right_arithmetic3A_213 = vector.broadcast %shift_right_arithmetic3A_212 : i32 to vector<16xi32>
      %shift_right_arithmetic3A_214 = arith.shrsi %get3A_204, %shift_right_arithmetic3A_213 : vector<16xi32>
      %convert_element_type3A_215 = arith.sitofp %shift_right_arithmetic3A_214 : vector<16xi32> to vector<16xf32>
      %mul3A_216 = arith.mulf %get3A_31, %convert_element_type3A_211 : vector<16xf32>
      %mul3A_217 = arith.mulf %get3A_36, %convert_element_type3A_215 : vector<16xf32>
      %add3A_218 = arith.addf %mul3A_216, %mul3A_217 : vector<16xf32>
      %add3A_219 = arith.addf %add3A_218, %get3A_41 : vector<16xf32>
      %mul3A_220 = arith.mulf %get3A_207, %add3A_219 : vector<16xf32>
      %swap3A_221 = arith.constant 0 : i32
      %swap3A_222 = arith.index_cast %swap3A_221 : i32 to index
      %swap3A_223 = arith.index_cast %add3A_201 : i32 to index
      %swap3A_224 = tpu.vector_load %arg10[%swap3A_222, %swap3A_223] {strides = array<i32>} : memref<4x4096xf32, #tpu.memory_space<vmem>>, vector<1x16xf32>,
      %swap3A_225 = vector.shape_cast %swap3A_224 : vector<1x16xf32> to vector<16xf32>
      %swap3A_226 = vector.shape_cast %mul3A_220 : vector<16xf32> to vector<1x16xf32>
      tpu.vector_store %arg10[%swap3A_222, %swap3A_223], %swap3A_226 {strides = array<i32>} : memref<4x4096xf32, #tpu.memory_space<vmem>>, vector<1x16xf32>,
      %mul3A_227 = arith.mulf %get3A_46, %convert_element_type3A_211 : vector<16xf32>
      %mul3A_228 = arith.mulf %get3A_51, %convert_element_type3A_215 : vector<16xf32>
      %add3A_229 = arith.addf %mul3A_227, %mul3A_228 : vector<16xf32>
      %add3A_230 = arith.addf %add3A_229, %get3A_56 : vector<16xf32>
      %mul3A_231 = arith.mulf %get3A_207, %add3A_230 : vector<16xf32>
      %swap3A_232 = arith.constant 1 : i32
      %swap3A_233 = arith.index_cast %swap3A_232 : i32 to index
      %swap3A_234 = arith.index_cast %add3A_201 : i32 to index
      %swap3A_235 = tpu.vector_load %arg10[%swap3A_233, %swap3A_234] {strides = array<i32>} : memref<4x4096xf32, #tpu.memory_space<vmem>>, vector<1x16xf32>,
      %swap3A_236 = vector.shape_cast %swap3A_235 : vector<1x16xf32> to vector<16xf32>
      %swap3A_237 = vector.shape_cast %mul3A_231 : vector<16xf32> to vector<1x16xf32>
      tpu.vector_store %arg10[%swap3A_233, %swap3A_234], %swap3A_237 {strides = array<i32>} : memref<4x4096xf32, #tpu.memory_space<vmem>>, vector<1x16xf32>,
      %mul3A_238 = arith.mulf %get3A_61, %convert_element_type3A_211 : vector<16xf32>
      %mul3A_239 = arith.mulf %get3A_66, %convert_element_type3A_215 : vector<16xf32>
      %add3A_240 = arith.addf %mul3A_238, %mul3A_239 : vector<16xf32>
      %add3A_241 = arith.addf %add3A_240, %get3A_71 : vector<16xf32>
      %mul3A_242 = arith.mulf %get3A_207, %add3A_241 : vector<16xf32>
      %swap3A_243 = arith.constant 2 : i32
      %swap3A_244 = arith.index_cast %swap3A_243 : i32 to index
      %swap3A_245 = arith.index_cast %add3A_201 : i32 to index
      %swap3A_246 = tpu.vector_load %arg10[%swap3A_244, %swap3A_245] {strides = array<i32>} : memref<4x4096xf32, #tpu.memory_space<vmem>>, vector<1x16xf32>,
      %swap3A_247 = vector.shape_cast %swap3A_246 : vector<1x16xf32> to vector<16xf32>
      %swap3A_248 = vector.shape_cast %mul3A_242 : vector<16xf32> to vector<1x16xf32>
      tpu.vector_store %arg10[%swap3A_244, %swap3A_245], %swap3A_248 {strides = array<i32>} : memref<4x4096xf32, #tpu.memory_space<vmem>>, vector<1x16xf32>,
      %swap3A_249 = arith.constant 3 : i32
      %swap3A_250 = arith.index_cast %swap3A_249 : i32 to index
      %swap3A_251 = arith.index_cast %add3A_201 : i32 to index
      %swap3A_252 = tpu.vector_load %arg10[%swap3A_250, %swap3A_251] {strides = array<i32>} : memref<4x4096xf32, #tpu.memory_space<vmem>>, vector<1x16xf32>,
      %swap3A_253 = vector.shape_cast %swap3A_252 : vector<1x16xf32> to vector<16xf32>
      %swap3A_254 = vector.shape_cast %broadcast_in_dim3A_72 : vector<16xf32> to vector<1x16xf32>
      tpu.vector_store %arg10[%swap3A_250, %swap3A_251], %swap3A_254 {strides = array<i32>} : memref<4x4096xf32, #tpu.memory_space<vmem>>, vector<1x16xf32>,
      %mul3A_255 = arith.constant 128 : i32
      %mul3A_256 = arith.muli %scan3A_139, %mul3A_255 : i32
      %add3A_257 = arith.constant 0 : i32
      %add3A_258 = arith.addi %add3A_257, %mul3A_256 : i32
      %add3A_259 = arith.constant 32 : i32
      %add3A_260 = arith.addi %add3A_258, %add3A_259 : i32
      %get3A_261 = arith.index_cast %add3A_260 : i32 to index
      %get3A_262 = tpu.vector_load %arg7[%get3A_261] {strides = array<i32>} : memref<4096xi32, #tpu.memory_space<vmem>>, vector<16xi32>,
      %get3A_263 = vector.shape_cast %get3A_262 : vector<16xi32> to vector<16xi32>
      %get3A_264 = arith.index_cast %add3A_260 : i32 to index
      %get3A_265 = tpu.vector_load %arg8[%get3A_264] {strides = array<i32>} : memref<4096xf32, #tpu.memory_space<vmem>>, vector<16xf32>,
      %get3A_266 = vector.shape_cast %get3A_265 : vector<16xf32> to vector<16xf32>
      %and3A_267 = arith.constant 511 : i32
      %and3A_268 = vector.broadcast %and3A_267 : i32 to vector<16xi32>
      %and3A_269 = arith.andi %get3A_263, %and3A_268 : vector<16xi32>
      %convert_element_type3A_270 = arith.sitofp %and3A_269 : vector<16xi32> to vector<16xf32>
      %shift_right_arithmetic3A_271 = arith.constant 9 : i32
      %shift_right_arithmetic3A_272 = vector.broadcast %shift_right_arithmetic3A_271 : i32 to vector<16xi32>
      %shift_right_arithmetic3A_273 = arith.shrsi %get3A_263, %shift_right_arithmetic3A_272 : vector<16xi32>
      %convert_element_type3A_274 = arith.sitofp %shift_right_arithmetic3A_273 : vector<16xi32> to vector<16xf32>
      %mul3A_275 = arith.mulf %get3A_31, %convert_element_type3A_270 : vector<16xf32>
      %mul3A_276 = arith.mulf %get3A_36, %convert_element_type3A_274 : vector<16xf32>
      %add3A_277 = arith.addf %mul3A_275, %mul3A_276 : vector<16xf32>
      %add3A_278 = arith.addf %add3A_277, %get3A_41 : vector<16xf32>
      %mul3A_279 = arith.mulf %get3A_266, %add3A_278 : vector<16xf32>
      %swap3A_280 = arith.constant 0 : i32
      %swap3A_281 = arith.index_cast %swap3A_280 : i32 to index
      %swap3A_282 = arith.index_cast %add3A_260 : i32 to index
      %swap3A_283 = tpu.vector_load %arg10[%swap3A_281, %swap3A_282] {strides = array<i32>} : memref<4x4096xf32, #tpu.memory_space<vmem>>, vector<1x16xf32>,
      %swap3A_284 = vector.shape_cast %swap3A_283 : vector<1x16xf32> to vector<16xf32>
      %swap3A_285 = vector.shape_cast %mul3A_279 : vector<16xf32> to vector<1x16xf32>
      tpu.vector_store %arg10[%swap3A_281, %swap3A_282], %swap3A_285 {strides = array<i32>} : memref<4x4096xf32, #tpu.memory_space<vmem>>, vector<1x16xf32>,
      %mul3A_286 = arith.mulf %get3A_46, %convert_element_type3A_270 : vector<16xf32>
      %mul3A_287 = arith.mulf %get3A_51, %convert_element_type3A_274 : vector<16xf32>
      %add3A_288 = arith.addf %mul3A_286, %mul3A_287 : vector<16xf32>
      %add3A_289 = arith.addf %add3A_288, %get3A_56 : vector<16xf32>
      %mul3A_290 = arith.mulf %get3A_266, %add3A_289 : vector<16xf32>
      %swap3A_291 = arith.constant 1 : i32
      %swap3A_292 = arith.index_cast %swap3A_291 : i32 to index
      %swap3A_293 = arith.index_cast %add3A_260 : i32 to index
      %swap3A_294 = tpu.vector_load %arg10[%swap3A_292, %swap3A_293] {strides = array<i32>} : memref<4x4096xf32, #tpu.memory_space<vmem>>, vector<1x16xf32>,
      %swap3A_295 = vector.shape_cast %swap3A_294 : vector<1x16xf32> to vector<16xf32>
      %swap3A_296 = vector.shape_cast %mul3A_290 : vector<16xf32> to vector<1x16xf32>
      tpu.vector_store %arg10[%swap3A_292, %swap3A_293], %swap3A_296 {strides = array<i32>} : memref<4x4096xf32, #tpu.memory_space<vmem>>, vector<1x16xf32>,
      %mul3A_297 = arith.mulf %get3A_61, %convert_element_type3A_270 : vector<16xf32>
      %mul3A_298 = arith.mulf %get3A_66, %convert_element_type3A_274 : vector<16xf32>
      %add3A_299 = arith.addf %mul3A_297, %mul3A_298 : vector<16xf32>
      %add3A_300 = arith.addf %add3A_299, %get3A_71 : vector<16xf32>
      %mul3A_301 = arith.mulf %get3A_266, %add3A_300 : vector<16xf32>
      %swap3A_302 = arith.constant 2 : i32
      %swap3A_303 = arith.index_cast %swap3A_302 : i32 to index
      %swap3A_304 = arith.index_cast %add3A_260 : i32 to index
      %swap3A_305 = tpu.vector_load %arg10[%swap3A_303, %swap3A_304] {strides = array<i32>} : memref<4x4096xf32, #tpu.memory_space<vmem>>, vector<1x16xf32>,
      %swap3A_306 = vector.shape_cast %swap3A_305 : vector<1x16xf32> to vector<16xf32>
      %swap3A_307 = vector.shape_cast %mul3A_301 : vector<16xf32> to vector<1x16xf32>
      tpu.vector_store %arg10[%swap3A_303, %swap3A_304], %swap3A_307 {strides = array<i32>} : memref<4x4096xf32, #tpu.memory_space<vmem>>, vector<1x16xf32>,
      %swap3A_308 = arith.constant 3 : i32
      %swap3A_309 = arith.index_cast %swap3A_308 : i32 to index
      %swap3A_310 = arith.index_cast %add3A_260 : i32 to index
      %swap3A_311 = tpu.vector_load %arg10[%swap3A_309, %swap3A_310] {strides = array<i32>} : memref<4x4096xf32, #tpu.memory_space<vmem>>, vector<1x16xf32>,
      %swap3A_312 = vector.shape_cast %swap3A_311 : vector<1x16xf32> to vector<16xf32>
      %swap3A_313 = vector.shape_cast %broadcast_in_dim3A_72 : vector<16xf32> to vector<1x16xf32>
      tpu.vector_store %arg10[%swap3A_309, %swap3A_310], %swap3A_313 {strides = array<i32>} : memref<4x4096xf32, #tpu.memory_space<vmem>>, vector<1x16xf32>,
      %mul3A_314 = arith.constant 128 : i32
      %mul3A_315 = arith.muli %scan3A_139, %mul3A_314 : i32
      %add3A_316 = arith.constant 0 : i32
      %add3A_317 = arith.addi %add3A_316, %mul3A_315 : i32
      %add3A_318 = arith.constant 48 : i32
      %add3A_319 = arith.addi %add3A_317, %add3A_318 : i32
      %get3A_320 = arith.index_cast %add3A_319 : i32 to index
      %get3A_321 = tpu.vector_load %arg7[%get3A_320] {strides = array<i32>} : memref<4096xi32, #tpu.memory_space<vmem>>, vector<16xi32>,
      %get3A_322 = vector.shape_cast %get3A_321 : vector<16xi32> to vector<16xi32>
      %get3A_323 = arith.index_cast %add3A_319 : i32 to index
      %get3A_324 = tpu.vector_load %arg8[%get3A_323] {strides = array<i32>} : memref<4096xf32, #tpu.memory_space<vmem>>, vector<16xf32>,
      %get3A_325 = vector.shape_cast %get3A_324 : vector<16xf32> to vector<16xf32>
      %and3A_326 = arith.constant 511 : i32
      %and3A_327 = vector.broadcast %and3A_326 : i32 to vector<16xi32>
      %and3A_328 = arith.andi %get3A_322, %and3A_327 : vector<16xi32>
      %convert_element_type3A_329 = arith.sitofp %and3A_328 : vector<16xi32> to vector<16xf32>
      %shift_right_arithmetic3A_330 = arith.constant 9 : i32
      %shift_right_arithmetic3A_331 = vector.broadcast %shift_right_arithmetic3A_330 : i32 to vector<16xi32>
      %shift_right_arithmetic3A_332 = arith.shrsi %get3A_322, %shift_right_arithmetic3A_331 : vector<16xi32>
      %convert_element_type3A_333 = arith.sitofp %shift_right_arithmetic3A_332 : vector<16xi32> to vector<16xf32>
      %mul3A_334 = arith.mulf %get3A_31, %convert_element_type3A_329 : vector<16xf32>
      %mul3A_335 = arith.mulf %get3A_36, %convert_element_type3A_333 : vector<16xf32>
      %add3A_336 = arith.addf %mul3A_334, %mul3A_335 : vector<16xf32>
      %add3A_337 = arith.addf %add3A_336, %get3A_41 : vector<16xf32>
      %mul3A_338 = arith.mulf %get3A_325, %add3A_337 : vector<16xf32>
      %swap3A_339 = arith.constant 0 : i32
      %swap3A_340 = arith.index_cast %swap3A_339 : i32 to index
      %swap3A_341 = arith.index_cast %add3A_319 : i32 to index
      %swap3A_342 = tpu.vector_load %arg10[%swap3A_340, %swap3A_341] {strides = array<i32>} : memref<4x4096xf32, #tpu.memory_space<vmem>>, vector<1x16xf32>,
      %swap3A_343 = vector.shape_cast %swap3A_342 : vector<1x16xf32> to vector<16xf32>
      %swap3A_344 = vector.shape_cast %mul3A_338 : vector<16xf32> to vector<1x16xf32>
      tpu.vector_store %arg10[%swap3A_340, %swap3A_341], %swap3A_344 {strides = array<i32>} : memref<4x4096xf32, #tpu.memory_space<vmem>>, vector<1x16xf32>,
      %mul3A_345 = arith.mulf %get3A_46, %convert_element_type3A_329 : vector<16xf32>
      %mul3A_346 = arith.mulf %get3A_51, %convert_element_type3A_333 : vector<16xf32>
      %add3A_347 = arith.addf %mul3A_345, %mul3A_346 : vector<16xf32>
      %add3A_348 = arith.addf %add3A_347, %get3A_56 : vector<16xf32>
      %mul3A_349 = arith.mulf %get3A_325, %add3A_348 : vector<16xf32>
      %swap3A_350 = arith.constant 1 : i32
      %swap3A_351 = arith.index_cast %swap3A_350 : i32 to index
      %swap3A_352 = arith.index_cast %add3A_319 : i32 to index
      %swap3A_353 = tpu.vector_load %arg10[%swap3A_351, %swap3A_352] {strides = array<i32>} : memref<4x4096xf32, #tpu.memory_space<vmem>>, vector<1x16xf32>,
      %swap3A_354 = vector.shape_cast %swap3A_353 : vector<1x16xf32> to vector<16xf32>
      %swap3A_355 = vector.shape_cast %mul3A_349 : vector<16xf32> to vector<1x16xf32>
      tpu.vector_store %arg10[%swap3A_351, %swap3A_352], %swap3A_355 {strides = array<i32>} : memref<4x4096xf32, #tpu.memory_space<vmem>>, vector<1x16xf32>,
      %mul3A_356 = arith.mulf %get3A_61, %convert_element_type3A_329 : vector<16xf32>
      %mul3A_357 = arith.mulf %get3A_66, %convert_element_type3A_333 : vector<16xf32>
      %add3A_358 = arith.addf %mul3A_356, %mul3A_357 : vector<16xf32>
      %add3A_359 = arith.addf %add3A_358, %get3A_71 : vector<16xf32>
      %mul3A_360 = arith.mulf %get3A_325, %add3A_359 : vector<16xf32>
      %swap3A_361 = arith.constant 2 : i32
      %swap3A_362 = arith.index_cast %swap3A_361 : i32 to index
      %swap3A_363 = arith.index_cast %add3A_319 : i32 to index
      %swap3A_364 = tpu.vector_load %arg10[%swap3A_362, %swap3A_363] {strides = array<i32>} : memref<4x4096xf32, #tpu.memory_space<vmem>>, vector<1x16xf32>,
      %swap3A_365 = vector.shape_cast %swap3A_364 : vector<1x16xf32> to vector<16xf32>
      %swap3A_366 = vector.shape_cast %mul3A_360 : vector<16xf32> to vector<1x16xf32>
      tpu.vector_store %arg10[%swap3A_362, %swap3A_363], %swap3A_366 {strides = array<i32>} : memref<4x4096xf32, #tpu.memory_space<vmem>>, vector<1x16xf32>,
      %swap3A_367 = arith.constant 3 : i32
      %swap3A_368 = arith.index_cast %swap3A_367 : i32 to index
      %swap3A_369 = arith.index_cast %add3A_319 : i32 to index
      %swap3A_370 = tpu.vector_load %arg10[%swap3A_368, %swap3A_369] {strides = array<i32>} : memref<4x4096xf32, #tpu.memory_space<vmem>>, vector<1x16xf32>,
      %swap3A_371 = vector.shape_cast %swap3A_370 : vector<1x16xf32> to vector<16xf32>
      %swap3A_372 = vector.shape_cast %broadcast_in_dim3A_72 : vector<16xf32> to vector<1x16xf32>
      tpu.vector_store %arg10[%swap3A_368, %swap3A_369], %swap3A_372 {strides = array<i32>} : memref<4x4096xf32, #tpu.memory_space<vmem>>, vector<1x16xf32>,
      %mul3A_373 = arith.constant 128 : i32
      %mul3A_374 = arith.muli %scan3A_139, %mul3A_373 : i32
      %add3A_375 = arith.constant 0 : i32
      %add3A_376 = arith.addi %add3A_375, %mul3A_374 : i32
      %add3A_377 = arith.constant 64 : i32
      %add3A_378 = arith.addi %add3A_376, %add3A_377 : i32
      %get3A_379 = arith.index_cast %add3A_378 : i32 to index
      %get3A_380 = tpu.vector_load %arg7[%get3A_379] {strides = array<i32>} : memref<4096xi32, #tpu.memory_space<vmem>>, vector<16xi32>,
      %get3A_381 = vector.shape_cast %get3A_380 : vector<16xi32> to vector<16xi32>
      %get3A_382 = arith.index_cast %add3A_378 : i32 to index
      %get3A_383 = tpu.vector_load %arg8[%get3A_382] {strides = array<i32>} : memref<4096xf32, #tpu.memory_space<vmem>>, vector<16xf32>,
      %get3A_384 = vector.shape_cast %get3A_383 : vector<16xf32> to vector<16xf32>
      %and3A_385 = arith.constant 511 : i32
      %and3A_386 = vector.broadcast %and3A_385 : i32 to vector<16xi32>
      %and3A_387 = arith.andi %get3A_381, %and3A_386 : vector<16xi32>
      %convert_element_type3A_388 = arith.sitofp %and3A_387 : vector<16xi32> to vector<16xf32>
      %shift_right_arithmetic3A_389 = arith.constant 9 : i32
      %shift_right_arithmetic3A_390 = vector.broadcast %shift_right_arithmetic3A_389 : i32 to vector<16xi32>
      %shift_right_arithmetic3A_391 = arith.shrsi %get3A_381, %shift_right_arithmetic3A_390 : vector<16xi32>
      %convert_element_type3A_392 = arith.sitofp %shift_right_arithmetic3A_391 : vector<16xi32> to vector<16xf32>
      %mul3A_393 = arith.mulf %get3A_31, %convert_element_type3A_388 : vector<16xf32>
      %mul3A_394 = arith.mulf %get3A_36, %convert_element_type3A_392 : vector<16xf32>
      %add3A_395 = arith.addf %mul3A_393, %mul3A_394 : vector<16xf32>
      %add3A_396 = arith.addf %add3A_395, %get3A_41 : vector<16xf32>
      %mul3A_397 = arith.mulf %get3A_384, %add3A_396 : vector<16xf32>
      %swap3A_398 = arith.constant 0 : i32
      %swap3A_399 = arith.index_cast %swap3A_398 : i32 to index
      %swap3A_400 = arith.index_cast %add3A_378 : i32 to index
      %swap3A_401 = tpu.vector_load %arg10[%swap3A_399, %swap3A_400] {strides = array<i32>} : memref<4x4096xf32, #tpu.memory_space<vmem>>, vector<1x16xf32>,
      %swap3A_402 = vector.shape_cast %swap3A_401 : vector<1x16xf32> to vector<16xf32>
      %swap3A_403 = vector.shape_cast %mul3A_397 : vector<16xf32> to vector<1x16xf32>
      tpu.vector_store %arg10[%swap3A_399, %swap3A_400], %swap3A_403 {strides = array<i32>} : memref<4x4096xf32, #tpu.memory_space<vmem>>, vector<1x16xf32>,
      %mul3A_404 = arith.mulf %get3A_46, %convert_element_type3A_388 : vector<16xf32>
      %mul3A_405 = arith.mulf %get3A_51, %convert_element_type3A_392 : vector<16xf32>
      %add3A_406 = arith.addf %mul3A_404, %mul3A_405 : vector<16xf32>
      %add3A_407 = arith.addf %add3A_406, %get3A_56 : vector<16xf32>
      %mul3A_408 = arith.mulf %get3A_384, %add3A_407 : vector<16xf32>
      %swap3A_409 = arith.constant 1 : i32
      %swap3A_410 = arith.index_cast %swap3A_409 : i32 to index
      %swap3A_411 = arith.index_cast %add3A_378 : i32 to index
      %swap3A_412 = tpu.vector_load %arg10[%swap3A_410, %swap3A_411] {strides = array<i32>} : memref<4x4096xf32, #tpu.memory_space<vmem>>, vector<1x16xf32>,
      %swap3A_413 = vector.shape_cast %swap3A_412 : vector<1x16xf32> to vector<16xf32>
      %swap3A_414 = vector.shape_cast %mul3A_408 : vector<16xf32> to vector<1x16xf32>
      tpu.vector_store %arg10[%swap3A_410, %swap3A_411], %swap3A_414 {strides = array<i32>} : memref<4x4096xf32, #tpu.memory_space<vmem>>, vector<1x16xf32>,
      %mul3A_415 = arith.mulf %get3A_61, %convert_element_type3A_388 : vector<16xf32>
      %mul3A_416 = arith.mulf %get3A_66, %convert_element_type3A_392 : vector<16xf32>
      %add3A_417 = arith.addf %mul3A_415, %mul3A_416 : vector<16xf32>
      %add3A_418 = arith.addf %add3A_417, %get3A_71 : vector<16xf32>
      %mul3A_419 = arith.mulf %get3A_384, %add3A_418 : vector<16xf32>
      %swap3A_420 = arith.constant 2 : i32
      %swap3A_421 = arith.index_cast %swap3A_420 : i32 to index
      %swap3A_422 = arith.index_cast %add3A_378 : i32 to index
      %swap3A_423 = tpu.vector_load %arg10[%swap3A_421, %swap3A_422] {strides = array<i32>} : memref<4x4096xf32, #tpu.memory_space<vmem>>, vector<1x16xf32>,
      %swap3A_424 = vector.shape_cast %swap3A_423 : vector<1x16xf32> to vector<16xf32>
      %swap3A_425 = vector.shape_cast %mul3A_419 : vector<16xf32> to vector<1x16xf32>
      tpu.vector_store %arg10[%swap3A_421, %swap3A_422], %swap3A_425 {strides = array<i32>} : memref<4x4096xf32, #tpu.memory_space<vmem>>, vector<1x16xf32>,
      %swap3A_426 = arith.constant 3 : i32
      %swap3A_427 = arith.index_cast %swap3A_426 : i32 to index
      %swap3A_428 = arith.index_cast %add3A_378 : i32 to index
      %swap3A_429 = tpu.vector_load %arg10[%swap3A_427, %swap3A_428] {strides = array<i32>} : memref<4x4096xf32, #tpu.memory_space<vmem>>, vector<1x16xf32>,
      %swap3A_430 = vector.shape_cast %swap3A_429 : vector<1x16xf32> to vector<16xf32>
      %swap3A_431 = vector.shape_cast %broadcast_in_dim3A_72 : vector<16xf32> to vector<1x16xf32>
      tpu.vector_store %arg10[%swap3A_427, %swap3A_428], %swap3A_431 {strides = array<i32>} : memref<4x4096xf32, #tpu.memory_space<vmem>>, vector<1x16xf32>,
      %mul3A_432 = arith.constant 128 : i32
      %mul3A_433 = arith.muli %scan3A_139, %mul3A_432 : i32
      %add3A_434 = arith.constant 0 : i32
      %add3A_435 = arith.addi %add3A_434, %mul3A_433 : i32
      %add3A_436 = arith.constant 80 : i32
      %add3A_437 = arith.addi %add3A_435, %add3A_436 : i32
      %get3A_438 = arith.index_cast %add3A_437 : i32 to index
      %get3A_439 = tpu.vector_load %arg7[%get3A_438] {strides = array<i32>} : memref<4096xi32, #tpu.memory_space<vmem>>, vector<16xi32>,
      %get3A_440 = vector.shape_cast %get3A_439 : vector<16xi32> to vector<16xi32>
      %get3A_441 = arith.index_cast %add3A_437 : i32 to index
      %get3A_442 = tpu.vector_load %arg8[%get3A_441] {strides = array<i32>} : memref<4096xf32, #tpu.memory_space<vmem>>, vector<16xf32>,
      %get3A_443 = vector.shape_cast %get3A_442 : vector<16xf32> to vector<16xf32>
      %and3A_444 = arith.constant 511 : i32
      %and3A_445 = vector.broadcast %and3A_444 : i32 to vector<16xi32>
      %and3A_446 = arith.andi %get3A_440, %and3A_445 : vector<16xi32>
      %convert_element_type3A_447 = arith.sitofp %and3A_446 : vector<16xi32> to vector<16xf32>
      %shift_right_arithmetic3A_448 = arith.constant 9 : i32
      %shift_right_arithmetic3A_449 = vector.broadcast %shift_right_arithmetic3A_448 : i32 to vector<16xi32>
      %shift_right_arithmetic3A_450 = arith.shrsi %get3A_440, %shift_right_arithmetic3A_449 : vector<16xi32>
      %convert_element_type3A_451 = arith.sitofp %shift_right_arithmetic3A_450 : vector<16xi32> to vector<16xf32>
      %mul3A_452 = arith.mulf %get3A_31, %convert_element_type3A_447 : vector<16xf32>
      %mul3A_453 = arith.mulf %get3A_36, %convert_element_type3A_451 : vector<16xf32>
      %add3A_454 = arith.addf %mul3A_452, %mul3A_453 : vector<16xf32>
      %add3A_455 = arith.addf %add3A_454, %get3A_41 : vector<16xf32>
      %mul3A_456 = arith.mulf %get3A_443, %add3A_455 : vector<16xf32>
      %swap3A_457 = arith.constant 0 : i32
      %swap3A_458 = arith.index_cast %swap3A_457 : i32 to index
      %swap3A_459 = arith.index_cast %add3A_437 : i32 to index
      %swap3A_460 = tpu.vector_load %arg10[%swap3A_458, %swap3A_459] {strides = array<i32>} : memref<4x4096xf32, #tpu.memory_space<vmem>>, vector<1x16xf32>,
      %swap3A_461 = vector.shape_cast %swap3A_460 : vector<1x16xf32> to vector<16xf32>
      %swap3A_462 = vector.shape_cast %mul3A_456 : vector<16xf32> to vector<1x16xf32>
      tpu.vector_store %arg10[%swap3A_458, %swap3A_459], %swap3A_462 {strides = array<i32>} : memref<4x4096xf32, #tpu.memory_space<vmem>>, vector<1x16xf32>,
      %mul3A_463 = arith.mulf %get3A_46, %convert_element_type3A_447 : vector<16xf32>
      %mul3A_464 = arith.mulf %get3A_51, %convert_element_type3A_451 : vector<16xf32>
      %add3A_465 = arith.addf %mul3A_463, %mul3A_464 : vector<16xf32>
      %add3A_466 = arith.addf %add3A_465, %get3A_56 : vector<16xf32>
      %mul3A_467 = arith.mulf %get3A_443, %add3A_466 : vector<16xf32>
      %swap3A_468 = arith.constant 1 : i32
      %swap3A_469 = arith.index_cast %swap3A_468 : i32 to index
      %swap3A_470 = arith.index_cast %add3A_437 : i32 to index
      %swap3A_471 = tpu.vector_load %arg10[%swap3A_469, %swap3A_470] {strides = array<i32>} : memref<4x4096xf32, #tpu.memory_space<vmem>>, vector<1x16xf32>,
      %swap3A_472 = vector.shape_cast %swap3A_471 : vector<1x16xf32> to vector<16xf32>
      %swap3A_473 = vector.shape_cast %mul3A_467 : vector<16xf32> to vector<1x16xf32>
      tpu.vector_store %arg10[%swap3A_469, %swap3A_470], %swap3A_473 {strides = array<i32>} : memref<4x4096xf32, #tpu.memory_space<vmem>>, vector<1x16xf32>,
      %mul3A_474 = arith.mulf %get3A_61, %convert_element_type3A_447 : vector<16xf32>
      %mul3A_475 = arith.mulf %get3A_66, %convert_element_type3A_451 : vector<16xf32>
      %add3A_476 = arith.addf %mul3A_474, %mul3A_475 : vector<16xf32>
      %add3A_477 = arith.addf %add3A_476, %get3A_71 : vector<16xf32>
      %mul3A_478 = arith.mulf %get3A_443, %add3A_477 : vector<16xf32>
      %swap3A_479 = arith.constant 2 : i32
      %swap3A_480 = arith.index_cast %swap3A_479 : i32 to index
      %swap3A_481 = arith.index_cast %add3A_437 : i32 to index
      %swap3A_482 = tpu.vector_load %arg10[%swap3A_480, %swap3A_481] {strides = array<i32>} : memref<4x4096xf32, #tpu.memory_space<vmem>>, vector<1x16xf32>,
      %swap3A_483 = vector.shape_cast %swap3A_482 : vector<1x16xf32> to vector<16xf32>
      %swap3A_484 = vector.shape_cast %mul3A_478 : vector<16xf32> to vector<1x16xf32>
      tpu.vector_store %arg10[%swap3A_480, %swap3A_481], %swap3A_484 {strides = array<i32>} : memref<4x4096xf32, #tpu.memory_space<vmem>>, vector<1x16xf32>,
      %swap3A_485 = arith.constant 3 : i32
      %swap3A_486 = arith.index_cast %swap3A_485 : i32 to index
      %swap3A_487 = arith.index_cast %add3A_437 : i32 to index
      %swap3A_488 = tpu.vector_load %arg10[%swap3A_486, %swap3A_487] {strides = array<i32>} : memref<4x4096xf32, #tpu.memory_space<vmem>>, vector<1x16xf32>,
      %swap3A_489 = vector.shape_cast %swap3A_488 : vector<1x16xf32> to vector<16xf32>
      %swap3A_490 = vector.shape_cast %broadcast_in_dim3A_72 : vector<16xf32> to vector<1x16xf32>
      tpu.vector_store %arg10[%swap3A_486, %swap3A_487], %swap3A_490 {strides = array<i32>} : memref<4x4096xf32, #tpu.memory_space<vmem>>, vector<1x16xf32>,
      %mul3A_491 = arith.constant 128 : i32
      %mul3A_492 = arith.muli %scan3A_139, %mul3A_491 : i32
      %add3A_493 = arith.constant 0 : i32
      %add3A_494 = arith.addi %add3A_493, %mul3A_492 : i32
      %add3A_495 = arith.constant 96 : i32
      %add3A_496 = arith.addi %add3A_494, %add3A_495 : i32
      %get3A_497 = arith.index_cast %add3A_496 : i32 to index
      %get3A_498 = tpu.vector_load %arg7[%get3A_497] {strides = array<i32>} : memref<4096xi32, #tpu.memory_space<vmem>>, vector<16xi32>,
      %get3A_499 = vector.shape_cast %get3A_498 : vector<16xi32> to vector<16xi32>
      %get3A_500 = arith.index_cast %add3A_496 : i32 to index
      %get3A_501 = tpu.vector_load %arg8[%get3A_500] {strides = array<i32>} : memref<4096xf32, #tpu.memory_space<vmem>>, vector<16xf32>,
      %get3A_502 = vector.shape_cast %get3A_501 : vector<16xf32> to vector<16xf32>
      %and3A_503 = arith.constant 511 : i32
      %and3A_504 = vector.broadcast %and3A_503 : i32 to vector<16xi32>
      %and3A_505 = arith.andi %get3A_499, %and3A_504 : vector<16xi32>
      %convert_element_type3A_506 = arith.sitofp %and3A_505 : vector<16xi32> to vector<16xf32>
      %shift_right_arithmetic3A_507 = arith.constant 9 : i32
      %shift_right_arithmetic3A_508 = vector.broadcast %shift_right_arithmetic3A_507 : i32 to vector<16xi32>
      %shift_right_arithmetic3A_509 = arith.shrsi %get3A_499, %shift_right_arithmetic3A_508 : vector<16xi32>
      %convert_element_type3A_510 = arith.sitofp %shift_right_arithmetic3A_509 : vector<16xi32> to vector<16xf32>
      %mul3A_511 = arith.mulf %get3A_31, %convert_element_type3A_506 : vector<16xf32>
      %mul3A_512 = arith.mulf %get3A_36, %convert_element_type3A_510 : vector<16xf32>
      %add3A_513 = arith.addf %mul3A_511, %mul3A_512 : vector<16xf32>
      %add3A_514 = arith.addf %add3A_513, %get3A_41 : vector<16xf32>
      %mul3A_515 = arith.mulf %get3A_502, %add3A_514 : vector<16xf32>
      %swap3A_516 = arith.constant 0 : i32
      %swap3A_517 = arith.index_cast %swap3A_516 : i32 to index
      %swap3A_518 = arith.index_cast %add3A_496 : i32 to index
      %swap3A_519 = tpu.vector_load %arg10[%swap3A_517, %swap3A_518] {strides = array<i32>} : memref<4x4096xf32, #tpu.memory_space<vmem>>, vector<1x16xf32>,
      %swap3A_520 = vector.shape_cast %swap3A_519 : vector<1x16xf32> to vector<16xf32>
      %swap3A_521 = vector.shape_cast %mul3A_515 : vector<16xf32> to vector<1x16xf32>
      tpu.vector_store %arg10[%swap3A_517, %swap3A_518], %swap3A_521 {strides = array<i32>} : memref<4x4096xf32, #tpu.memory_space<vmem>>, vector<1x16xf32>,
      %mul3A_522 = arith.mulf %get3A_46, %convert_element_type3A_506 : vector<16xf32>
      %mul3A_523 = arith.mulf %get3A_51, %convert_element_type3A_510 : vector<16xf32>
      %add3A_524 = arith.addf %mul3A_522, %mul3A_523 : vector<16xf32>
      %add3A_525 = arith.addf %add3A_524, %get3A_56 : vector<16xf32>
      %mul3A_526 = arith.mulf %get3A_502, %add3A_525 : vector<16xf32>
      %swap3A_527 = arith.constant 1 : i32
      %swap3A_528 = arith.index_cast %swap3A_527 : i32 to index
      %swap3A_529 = arith.index_cast %add3A_496 : i32 to index
      %swap3A_530 = tpu.vector_load %arg10[%swap3A_528, %swap3A_529] {strides = array<i32>} : memref<4x4096xf32, #tpu.memory_space<vmem>>, vector<1x16xf32>,
      %swap3A_531 = vector.shape_cast %swap3A_530 : vector<1x16xf32> to vector<16xf32>
      %swap3A_532 = vector.shape_cast %mul3A_526 : vector<16xf32> to vector<1x16xf32>
      tpu.vector_store %arg10[%swap3A_528, %swap3A_529], %swap3A_532 {strides = array<i32>} : memref<4x4096xf32, #tpu.memory_space<vmem>>, vector<1x16xf32>,
      %mul3A_533 = arith.mulf %get3A_61, %convert_element_type3A_506 : vector<16xf32>
      %mul3A_534 = arith.mulf %get3A_66, %convert_element_type3A_510 : vector<16xf32>
      %add3A_535 = arith.addf %mul3A_533, %mul3A_534 : vector<16xf32>
      %add3A_536 = arith.addf %add3A_535, %get3A_71 : vector<16xf32>
      %mul3A_537 = arith.mulf %get3A_502, %add3A_536 : vector<16xf32>
      %swap3A_538 = arith.constant 2 : i32
      %swap3A_539 = arith.index_cast %swap3A_538 : i32 to index
      %swap3A_540 = arith.index_cast %add3A_496 : i32 to index
      %swap3A_541 = tpu.vector_load %arg10[%swap3A_539, %swap3A_540] {strides = array<i32>} : memref<4x4096xf32, #tpu.memory_space<vmem>>, vector<1x16xf32>,
      %swap3A_542 = vector.shape_cast %swap3A_541 : vector<1x16xf32> to vector<16xf32>
      %swap3A_543 = vector.shape_cast %mul3A_537 : vector<16xf32> to vector<1x16xf32>
      tpu.vector_store %arg10[%swap3A_539, %swap3A_540], %swap3A_543 {strides = array<i32>} : memref<4x4096xf32, #tpu.memory_space<vmem>>, vector<1x16xf32>,
      %swap3A_544 = arith.constant 3 : i32
      %swap3A_545 = arith.index_cast %swap3A_544 : i32 to index
      %swap3A_546 = arith.index_cast %add3A_496 : i32 to index
      %swap3A_547 = tpu.vector_load %arg10[%swap3A_545, %swap3A_546] {strides = array<i32>} : memref<4x4096xf32, #tpu.memory_space<vmem>>, vector<1x16xf32>,
      %swap3A_548 = vector.shape_cast %swap3A_547 : vector<1x16xf32> to vector<16xf32>
      %swap3A_549 = vector.shape_cast %broadcast_in_dim3A_72 : vector<16xf32> to vector<1x16xf32>
      tpu.vector_store %arg10[%swap3A_545, %swap3A_546], %swap3A_549 {strides = array<i32>} : memref<4x4096xf32, #tpu.memory_space<vmem>>, vector<1x16xf32>,
      %mul3A_550 = arith.constant 128 : i32
      %mul3A_551 = arith.muli %scan3A_139, %mul3A_550 : i32
      %add3A_552 = arith.constant 0 : i32
      %add3A_553 = arith.addi %add3A_552, %mul3A_551 : i32
      %add3A_554 = arith.constant 112 : i32
      %add3A_555 = arith.addi %add3A_553, %add3A_554 : i32
      %get3A_556 = arith.index_cast %add3A_555 : i32 to index
      %get3A_557 = tpu.vector_load %arg7[%get3A_556] {strides = array<i32>} : memref<4096xi32, #tpu.memory_space<vmem>>, vector<16xi32>,
      %get3A_558 = vector.shape_cast %get3A_557 : vector<16xi32> to vector<16xi32>
      %get3A_559 = arith.index_cast %add3A_555 : i32 to index
      %get3A_560 = tpu.vector_load %arg8[%get3A_559] {strides = array<i32>} : memref<4096xf32, #tpu.memory_space<vmem>>, vector<16xf32>,
      %get3A_561 = vector.shape_cast %get3A_560 : vector<16xf32> to vector<16xf32>
      %and3A_562 = arith.constant 511 : i32
      %and3A_563 = vector.broadcast %and3A_562 : i32 to vector<16xi32>
      %and3A_564 = arith.andi %get3A_558, %and3A_563 : vector<16xi32>
      %convert_element_type3A_565 = arith.sitofp %and3A_564 : vector<16xi32> to vector<16xf32>
      %shift_right_arithmetic3A_566 = arith.constant 9 : i32
      %shift_right_arithmetic3A_567 = vector.broadcast %shift_right_arithmetic3A_566 : i32 to vector<16xi32>
      %shift_right_arithmetic3A_568 = arith.shrsi %get3A_558, %shift_right_arithmetic3A_567 : vector<16xi32>
      %convert_element_type3A_569 = arith.sitofp %shift_right_arithmetic3A_568 : vector<16xi32> to vector<16xf32>
      %mul3A_570 = arith.mulf %get3A_31, %convert_element_type3A_565 : vector<16xf32>
      %mul3A_571 = arith.mulf %get3A_36, %convert_element_type3A_569 : vector<16xf32>
      %add3A_572 = arith.addf %mul3A_570, %mul3A_571 : vector<16xf32>
      %add3A_573 = arith.addf %add3A_572, %get3A_41 : vector<16xf32>
      %mul3A_574 = arith.mulf %get3A_561, %add3A_573 : vector<16xf32>
      %swap3A_575 = arith.constant 0 : i32
      %swap3A_576 = arith.index_cast %swap3A_575 : i32 to index
      %swap3A_577 = arith.index_cast %add3A_555 : i32 to index
      %swap3A_578 = tpu.vector_load %arg10[%swap3A_576, %swap3A_577] {strides = array<i32>} : memref<4x4096xf32, #tpu.memory_space<vmem>>, vector<1x16xf32>,
      %swap3A_579 = vector.shape_cast %swap3A_578 : vector<1x16xf32> to vector<16xf32>
      %swap3A_580 = vector.shape_cast %mul3A_574 : vector<16xf32> to vector<1x16xf32>
      tpu.vector_store %arg10[%swap3A_576, %swap3A_577], %swap3A_580 {strides = array<i32>} : memref<4x4096xf32, #tpu.memory_space<vmem>>, vector<1x16xf32>,
      %mul3A_581 = arith.mulf %get3A_46, %convert_element_type3A_565 : vector<16xf32>
      %mul3A_582 = arith.mulf %get3A_51, %convert_element_type3A_569 : vector<16xf32>
      %add3A_583 = arith.addf %mul3A_581, %mul3A_582 : vector<16xf32>
      %add3A_584 = arith.addf %add3A_583, %get3A_56 : vector<16xf32>
      %mul3A_585 = arith.mulf %get3A_561, %add3A_584 : vector<16xf32>
      %swap3A_586 = arith.constant 1 : i32
      %swap3A_587 = arith.index_cast %swap3A_586 : i32 to index
      %swap3A_588 = arith.index_cast %add3A_555 : i32 to index
      %swap3A_589 = tpu.vector_load %arg10[%swap3A_587, %swap3A_588] {strides = array<i32>} : memref<4x4096xf32, #tpu.memory_space<vmem>>, vector<1x16xf32>,
      %swap3A_590 = vector.shape_cast %swap3A_589 : vector<1x16xf32> to vector<16xf32>
      %swap3A_591 = vector.shape_cast %mul3A_585 : vector<16xf32> to vector<1x16xf32>
      tpu.vector_store %arg10[%swap3A_587, %swap3A_588], %swap3A_591 {strides = array<i32>} : memref<4x4096xf32, #tpu.memory_space<vmem>>, vector<1x16xf32>,
      %mul3A_592 = arith.mulf %get3A_61, %convert_element_type3A_565 : vector<16xf32>
      %mul3A_593 = arith.mulf %get3A_66, %convert_element_type3A_569 : vector<16xf32>
      %add3A_594 = arith.addf %mul3A_592, %mul3A_593 : vector<16xf32>
      %add3A_595 = arith.addf %add3A_594, %get3A_71 : vector<16xf32>
      %mul3A_596 = arith.mulf %get3A_561, %add3A_595 : vector<16xf32>
      %swap3A_597 = arith.constant 2 : i32
      %swap3A_598 = arith.index_cast %swap3A_597 : i32 to index
      %swap3A_599 = arith.index_cast %add3A_555 : i32 to index
      %swap3A_600 = tpu.vector_load %arg10[%swap3A_598, %swap3A_599] {strides = array<i32>} : memref<4x4096xf32, #tpu.memory_space<vmem>>, vector<1x16xf32>,
      %swap3A_601 = vector.shape_cast %swap3A_600 : vector<1x16xf32> to vector<16xf32>
      %swap3A_602 = vector.shape_cast %mul3A_596 : vector<16xf32> to vector<1x16xf32>
      tpu.vector_store %arg10[%swap3A_598, %swap3A_599], %swap3A_602 {strides = array<i32>} : memref<4x4096xf32, #tpu.memory_space<vmem>>, vector<1x16xf32>,
      %swap3A_603 = arith.constant 3 : i32
      %swap3A_604 = arith.index_cast %swap3A_603 : i32 to index
      %swap3A_605 = arith.index_cast %add3A_555 : i32 to index
      %swap3A_606 = tpu.vector_load %arg10[%swap3A_604, %swap3A_605] {strides = array<i32>} : memref<4x4096xf32, #tpu.memory_space<vmem>>, vector<1x16xf32>,
      %swap3A_607 = vector.shape_cast %swap3A_606 : vector<1x16xf32> to vector<16xf32>
      %swap3A_608 = vector.shape_cast %broadcast_in_dim3A_72 : vector<16xf32> to vector<1x16xf32>
      tpu.vector_store %arg10[%swap3A_604, %swap3A_605], %swap3A_608 {strides = array<i32>} : memref<4x4096xf32, #tpu.memory_space<vmem>>, vector<1x16xf32>,
    }
    %scan3A_81 = arith.constant 16 : i32
    %add3A_82 = arith.constant 0 : i32
    %add3A_83 = arith.addi %mul3A_20, %add3A_82 : i32
    %dma_start3A = arith.constant 0 : i32
    %dma_start3A_84 = arith.constant 0 : i32
    %dma_start3A_85 = tpu.memref_slice %arg10[%dma_start3A, %dma_start3A_84] : memref<4x4096xf32, #tpu.memory_space<vmem>> -> memref<4x2048xf32, #tpu.memory_space<vmem>>
    %dma_start3A_86 = arith.constant 0 : i32
    %dma_start3A_87 = tpu.memref_slice %arg5[%select_n3A, %dma_start3A_86, %add3A_83] : memref<8x4x16384xf32, #tpu.memory_space<hbm>> -> memref<1x4x2048xf32, #tpu.memory_space<hbm>>
    %dma_start3A_88 = tpu.memref_squeeze %dma_start3A_87 : memref<1x4x2048xf32, #tpu.memory_space<hbm>> -> memref<4x2048xf32, #tpu.memory_space<hbm>>
    %dma_start3A_89 = arith.constant 0 : i32
    %dma_start3A_90 = tpu.memref_slice %arg5[%select_n3A, %dma_start3A_89, %add3A_83] : memref<8x4x16384xf32, #tpu.memory_space<hbm>> -> memref<1x4x2048xf32, #tpu.memory_space<hbm>>
    %dma_start3A_91 = tpu.memref_squeeze %dma_start3A_90 : memref<1x4x2048xf32, #tpu.memory_space<hbm>> -> memref<4x2048xf32, #tpu.memory_space<hbm>>
    %dma_start3A_92 = arith.constant 0 : i32
    %dma_start3A_93 = arith.constant 0 : i32
    %dma_start3A_94 = tpu.memref_slice %arg10[%dma_start3A_92, %dma_start3A_93] : memref<4x4096xf32, #tpu.memory_space<vmem>> -> memref<4x2048xf32, #tpu.memory_space<vmem>>
    tpu.enqueue_dma source(%dma_start3A_94 : memref<4x2048xf32, #tpu.memory_space<vmem>>) target(%dma_start3A_91 : memref<4x2048xf32, #tpu.memory_space<hbm>>) target_semaphore(%arg12 : memref<!tpu.dma_semaphore, #tpu.memory_space<semaphore_mem>>)
    %scan3A_95 = arith.constant 0 : i32
    %scan3A_96 = arith.constant 0 : i32
    %scan3A_97 = arith.constant 16 : i32
    %scan3A_98 = arith.addi %scan3A_96, %scan3A_97 : i32
    %scan3A_99 = arith.constant 1 : i32
    scf.for %scan3A_139 = %scan3A_96 to %scan3A_98 step %scan3A_99  : i32 {
      %mul3A_140 = arith.constant 128 : i32
      %mul3A_141 = arith.muli %scan3A_139, %mul3A_140 : i32
      %add3A_142 = arith.constant 2048 : i32
      %add3A_143 = arith.addi %add3A_142, %mul3A_141 : i32
      %add3A_144 = arith.constant 0 : i32
      %add3A_145 = arith.addi %add3A_143, %add3A_144 : i32
      %get3A_146 = arith.index_cast %add3A_145 : i32 to index
      %get3A_147 = tpu.vector_load %arg7[%get3A_146] {strides = array<i32>} : memref<4096xi32, #tpu.memory_space<vmem>>, vector<16xi32>,
      %get3A_148 = vector.shape_cast %get3A_147 : vector<16xi32> to vector<16xi32>
      %get3A_149 = arith.index_cast %add3A_145 : i32 to index
      %get3A_150 = tpu.vector_load %arg8[%get3A_149] {strides = array<i32>} : memref<4096xf32, #tpu.memory_space<vmem>>, vector<16xf32>,
      %get3A_151 = vector.shape_cast %get3A_150 : vector<16xf32> to vector<16xf32>
      %and3A_152 = arith.constant 511 : i32
      %and3A_153 = vector.broadcast %and3A_152 : i32 to vector<16xi32>
      %and3A_154 = arith.andi %get3A_148, %and3A_153 : vector<16xi32>
      %convert_element_type3A = arith.sitofp %and3A_154 : vector<16xi32> to vector<16xf32>
      %shift_right_arithmetic3A = arith.constant 9 : i32
      %shift_right_arithmetic3A_155 = vector.broadcast %shift_right_arithmetic3A : i32 to vector<16xi32>
      %shift_right_arithmetic3A_156 = arith.shrsi %get3A_148, %shift_right_arithmetic3A_155 : vector<16xi32>
      %convert_element_type3A_157 = arith.sitofp %shift_right_arithmetic3A_156 : vector<16xi32> to vector<16xf32>
      %mul3A_158 = arith.mulf %get3A_31, %convert_element_type3A : vector<16xf32>
      %mul3A_159 = arith.mulf %get3A_36, %convert_element_type3A_157 : vector<16xf32>
      %add3A_160 = arith.addf %mul3A_158, %mul3A_159 : vector<16xf32>
      %add3A_161 = arith.addf %add3A_160, %get3A_41 : vector<16xf32>
      %mul3A_162 = arith.mulf %get3A_151, %add3A_161 : vector<16xf32>
      %swap3A = arith.constant 0 : i32
      %swap3A_163 = arith.index_cast %swap3A : i32 to index
      %swap3A_164 = arith.index_cast %add3A_145 : i32 to index
      %swap3A_165 = tpu.vector_load %arg10[%swap3A_163, %swap3A_164] {strides = array<i32>} : memref<4x4096xf32, #tpu.memory_space<vmem>>, vector<1x16xf32>,
      %swap3A_166 = vector.shape_cast %swap3A_165 : vector<1x16xf32> to vector<16xf32>
      %swap3A_167 = vector.shape_cast %mul3A_162 : vector<16xf32> to vector<1x16xf32>
      tpu.vector_store %arg10[%swap3A_163, %swap3A_164], %swap3A_167 {strides = array<i32>} : memref<4x4096xf32, #tpu.memory_space<vmem>>, vector<1x16xf32>,
      %mul3A_168 = arith.mulf %get3A_46, %convert_element_type3A : vector<16xf32>
      %mul3A_169 = arith.mulf %get3A_51, %convert_element_type3A_157 : vector<16xf32>
      %add3A_170 = arith.addf %mul3A_168, %mul3A_169 : vector<16xf32>
      %add3A_171 = arith.addf %add3A_170, %get3A_56 : vector<16xf32>
      %mul3A_172 = arith.mulf %get3A_151, %add3A_171 : vector<16xf32>
      %swap3A_173 = arith.constant 1 : i32
      %swap3A_174 = arith.index_cast %swap3A_173 : i32 to index
      %swap3A_175 = arith.index_cast %add3A_145 : i32 to index
      %swap3A_176 = tpu.vector_load %arg10[%swap3A_174, %swap3A_175] {strides = array<i32>} : memref<4x4096xf32, #tpu.memory_space<vmem>>, vector<1x16xf32>,
      %swap3A_177 = vector.shape_cast %swap3A_176 : vector<1x16xf32> to vector<16xf32>
      %swap3A_178 = vector.shape_cast %mul3A_172 : vector<16xf32> to vector<1x16xf32>
      tpu.vector_store %arg10[%swap3A_174, %swap3A_175], %swap3A_178 {strides = array<i32>} : memref<4x4096xf32, #tpu.memory_space<vmem>>, vector<1x16xf32>,
      %mul3A_179 = arith.mulf %get3A_61, %convert_element_type3A : vector<16xf32>
      %mul3A_180 = arith.mulf %get3A_66, %convert_element_type3A_157 : vector<16xf32>
      %add3A_181 = arith.addf %mul3A_179, %mul3A_180 : vector<16xf32>
      %add3A_182 = arith.addf %add3A_181, %get3A_71 : vector<16xf32>
      %mul3A_183 = arith.mulf %get3A_151, %add3A_182 : vector<16xf32>
      %swap3A_184 = arith.constant 2 : i32
      %swap3A_185 = arith.index_cast %swap3A_184 : i32 to index
      %swap3A_186 = arith.index_cast %add3A_145 : i32 to index
      %swap3A_187 = tpu.vector_load %arg10[%swap3A_185, %swap3A_186] {strides = array<i32>} : memref<4x4096xf32, #tpu.memory_space<vmem>>, vector<1x16xf32>,
      %swap3A_188 = vector.shape_cast %swap3A_187 : vector<1x16xf32> to vector<16xf32>
      %swap3A_189 = vector.shape_cast %mul3A_183 : vector<16xf32> to vector<1x16xf32>
      tpu.vector_store %arg10[%swap3A_185, %swap3A_186], %swap3A_189 {strides = array<i32>} : memref<4x4096xf32, #tpu.memory_space<vmem>>, vector<1x16xf32>,
      %swap3A_190 = arith.constant 3 : i32
      %swap3A_191 = arith.index_cast %swap3A_190 : i32 to index
      %swap3A_192 = arith.index_cast %add3A_145 : i32 to index
      %swap3A_193 = tpu.vector_load %arg10[%swap3A_191, %swap3A_192] {strides = array<i32>} : memref<4x4096xf32, #tpu.memory_space<vmem>>, vector<1x16xf32>,
      %swap3A_194 = vector.shape_cast %swap3A_193 : vector<1x16xf32> to vector<16xf32>
      %swap3A_195 = vector.shape_cast %broadcast_in_dim3A_72 : vector<16xf32> to vector<1x16xf32>
      tpu.vector_store %arg10[%swap3A_191, %swap3A_192], %swap3A_195 {strides = array<i32>} : memref<4x4096xf32, #tpu.memory_space<vmem>>, vector<1x16xf32>,
      %mul3A_196 = arith.constant 128 : i32
      %mul3A_197 = arith.muli %scan3A_139, %mul3A_196 : i32
      %add3A_198 = arith.constant 2048 : i32
      %add3A_199 = arith.addi %add3A_198, %mul3A_197 : i32
      %add3A_200 = arith.constant 16 : i32
      %add3A_201 = arith.addi %add3A_199, %add3A_200 : i32
      %get3A_202 = arith.index_cast %add3A_201 : i32 to index
      %get3A_203 = tpu.vector_load %arg7[%get3A_202] {strides = array<i32>} : memref<4096xi32, #tpu.memory_space<vmem>>, vector<16xi32>,
      %get3A_204 = vector.shape_cast %get3A_203 : vector<16xi32> to vector<16xi32>
      %get3A_205 = arith.index_cast %add3A_201 : i32 to index
      %get3A_206 = tpu.vector_load %arg8[%get3A_205] {strides = array<i32>} : memref<4096xf32, #tpu.memory_space<vmem>>, vector<16xf32>,
      %get3A_207 = vector.shape_cast %get3A_206 : vector<16xf32> to vector<16xf32>
      %and3A_208 = arith.constant 511 : i32
      %and3A_209 = vector.broadcast %and3A_208 : i32 to vector<16xi32>
      %and3A_210 = arith.andi %get3A_204, %and3A_209 : vector<16xi32>
      %convert_element_type3A_211 = arith.sitofp %and3A_210 : vector<16xi32> to vector<16xf32>
      %shift_right_arithmetic3A_212 = arith.constant 9 : i32
      %shift_right_arithmetic3A_213 = vector.broadcast %shift_right_arithmetic3A_212 : i32 to vector<16xi32>
      %shift_right_arithmetic3A_214 = arith.shrsi %get3A_204, %shift_right_arithmetic3A_213 : vector<16xi32>
      %convert_element_type3A_215 = arith.sitofp %shift_right_arithmetic3A_214 : vector<16xi32> to vector<16xf32>
      %mul3A_216 = arith.mulf %get3A_31, %convert_element_type3A_211 : vector<16xf32>
      %mul3A_217 = arith.mulf %get3A_36, %convert_element_type3A_215 : vector<16xf32>
      %add3A_218 = arith.addf %mul3A_216, %mul3A_217 : vector<16xf32>
      %add3A_219 = arith.addf %add3A_218, %get3A_41 : vector<16xf32>
      %mul3A_220 = arith.mulf %get3A_207, %add3A_219 : vector<16xf32>
      %swap3A_221 = arith.constant 0 : i32
      %swap3A_222 = arith.index_cast %swap3A_221 : i32 to index
      %swap3A_223 = arith.index_cast %add3A_201 : i32 to index
      %swap3A_224 = tpu.vector_load %arg10[%swap3A_222, %swap3A_223] {strides = array<i32>} : memref<4x4096xf32, #tpu.memory_space<vmem>>, vector<1x16xf32>,
      %swap3A_225 = vector.shape_cast %swap3A_224 : vector<1x16xf32> to vector<16xf32>
      %swap3A_226 = vector.shape_cast %mul3A_220 : vector<16xf32> to vector<1x16xf32>
      tpu.vector_store %arg10[%swap3A_222, %swap3A_223], %swap3A_226 {strides = array<i32>} : memref<4x4096xf32, #tpu.memory_space<vmem>>, vector<1x16xf32>,
      %mul3A_227 = arith.mulf %get3A_46, %convert_element_type3A_211 : vector<16xf32>
      %mul3A_228 = arith.mulf %get3A_51, %convert_element_type3A_215 : vector<16xf32>
      %add3A_229 = arith.addf %mul3A_227, %mul3A_228 : vector<16xf32>
      %add3A_230 = arith.addf %add3A_229, %get3A_56 : vector<16xf32>
      %mul3A_231 = arith.mulf %get3A_207, %add3A_230 : vector<16xf32>
      %swap3A_232 = arith.constant 1 : i32
      %swap3A_233 = arith.index_cast %swap3A_232 : i32 to index
      %swap3A_234 = arith.index_cast %add3A_201 : i32 to index
      %swap3A_235 = tpu.vector_load %arg10[%swap3A_233, %swap3A_234] {strides = array<i32>} : memref<4x4096xf32, #tpu.memory_space<vmem>>, vector<1x16xf32>,
      %swap3A_236 = vector.shape_cast %swap3A_235 : vector<1x16xf32> to vector<16xf32>
      %swap3A_237 = vector.shape_cast %mul3A_231 : vector<16xf32> to vector<1x16xf32>
      tpu.vector_store %arg10[%swap3A_233, %swap3A_234], %swap3A_237 {strides = array<i32>} : memref<4x4096xf32, #tpu.memory_space<vmem>>, vector<1x16xf32>,
      %mul3A_238 = arith.mulf %get3A_61, %convert_element_type3A_211 : vector<16xf32>
      %mul3A_239 = arith.mulf %get3A_66, %convert_element_type3A_215 : vector<16xf32>
      %add3A_240 = arith.addf %mul3A_238, %mul3A_239 : vector<16xf32>
      %add3A_241 = arith.addf %add3A_240, %get3A_71 : vector<16xf32>
      %mul3A_242 = arith.mulf %get3A_207, %add3A_241 : vector<16xf32>
      %swap3A_243 = arith.constant 2 : i32
      %swap3A_244 = arith.index_cast %swap3A_243 : i32 to index
      %swap3A_245 = arith.index_cast %add3A_201 : i32 to index
      %swap3A_246 = tpu.vector_load %arg10[%swap3A_244, %swap3A_245] {strides = array<i32>} : memref<4x4096xf32, #tpu.memory_space<vmem>>, vector<1x16xf32>,
      %swap3A_247 = vector.shape_cast %swap3A_246 : vector<1x16xf32> to vector<16xf32>
      %swap3A_248 = vector.shape_cast %mul3A_242 : vector<16xf32> to vector<1x16xf32>
      tpu.vector_store %arg10[%swap3A_244, %swap3A_245], %swap3A_248 {strides = array<i32>} : memref<4x4096xf32, #tpu.memory_space<vmem>>, vector<1x16xf32>,
      %swap3A_249 = arith.constant 3 : i32
      %swap3A_250 = arith.index_cast %swap3A_249 : i32 to index
      %swap3A_251 = arith.index_cast %add3A_201 : i32 to index
      %swap3A_252 = tpu.vector_load %arg10[%swap3A_250, %swap3A_251] {strides = array<i32>} : memref<4x4096xf32, #tpu.memory_space<vmem>>, vector<1x16xf32>,
      %swap3A_253 = vector.shape_cast %swap3A_252 : vector<1x16xf32> to vector<16xf32>
      %swap3A_254 = vector.shape_cast %broadcast_in_dim3A_72 : vector<16xf32> to vector<1x16xf32>
      tpu.vector_store %arg10[%swap3A_250, %swap3A_251], %swap3A_254 {strides = array<i32>} : memref<4x4096xf32, #tpu.memory_space<vmem>>, vector<1x16xf32>,
      %mul3A_255 = arith.constant 128 : i32
      %mul3A_256 = arith.muli %scan3A_139, %mul3A_255 : i32
      %add3A_257 = arith.constant 2048 : i32
      %add3A_258 = arith.addi %add3A_257, %mul3A_256 : i32
      %add3A_259 = arith.constant 32 : i32
      %add3A_260 = arith.addi %add3A_258, %add3A_259 : i32
      %get3A_261 = arith.index_cast %add3A_260 : i32 to index
      %get3A_262 = tpu.vector_load %arg7[%get3A_261] {strides = array<i32>} : memref<4096xi32, #tpu.memory_space<vmem>>, vector<16xi32>,
      %get3A_263 = vector.shape_cast %get3A_262 : vector<16xi32> to vector<16xi32>
      %get3A_264 = arith.index_cast %add3A_260 : i32 to index
      %get3A_265 = tpu.vector_load %arg8[%get3A_264] {strides = array<i32>} : memref<4096xf32, #tpu.memory_space<vmem>>, vector<16xf32>,
      %get3A_266 = vector.shape_cast %get3A_265 : vector<16xf32> to vector<16xf32>
      %and3A_267 = arith.constant 511 : i32
      %and3A_268 = vector.broadcast %and3A_267 : i32 to vector<16xi32>
      %and3A_269 = arith.andi %get3A_263, %and3A_268 : vector<16xi32>
      %convert_element_type3A_270 = arith.sitofp %and3A_269 : vector<16xi32> to vector<16xf32>
      %shift_right_arithmetic3A_271 = arith.constant 9 : i32
      %shift_right_arithmetic3A_272 = vector.broadcast %shift_right_arithmetic3A_271 : i32 to vector<16xi32>
      %shift_right_arithmetic3A_273 = arith.shrsi %get3A_263, %shift_right_arithmetic3A_272 : vector<16xi32>
      %convert_element_type3A_274 = arith.sitofp %shift_right_arithmetic3A_273 : vector<16xi32> to vector<16xf32>
      %mul3A_275 = arith.mulf %get3A_31, %convert_element_type3A_270 : vector<16xf32>
      %mul3A_276 = arith.mulf %get3A_36, %convert_element_type3A_274 : vector<16xf32>
      %add3A_277 = arith.addf %mul3A_275, %mul3A_276 : vector<16xf32>
      %add3A_278 = arith.addf %add3A_277, %get3A_41 : vector<16xf32>
      %mul3A_279 = arith.mulf %get3A_266, %add3A_278 : vector<16xf32>
      %swap3A_280 = arith.constant 0 : i32
      %swap3A_281 = arith.index_cast %swap3A_280 : i32 to index
      %swap3A_282 = arith.index_cast %add3A_260 : i32 to index
      %swap3A_283 = tpu.vector_load %arg10[%swap3A_281, %swap3A_282] {strides = array<i32>} : memref<4x4096xf32, #tpu.memory_space<vmem>>, vector<1x16xf32>,
      %swap3A_284 = vector.shape_cast %swap3A_283 : vector<1x16xf32> to vector<16xf32>
      %swap3A_285 = vector.shape_cast %mul3A_279 : vector<16xf32> to vector<1x16xf32>
      tpu.vector_store %arg10[%swap3A_281, %swap3A_282], %swap3A_285 {strides = array<i32>} : memref<4x4096xf32, #tpu.memory_space<vmem>>, vector<1x16xf32>,
      %mul3A_286 = arith.mulf %get3A_46, %convert_element_type3A_270 : vector<16xf32>
      %mul3A_287 = arith.mulf %get3A_51, %convert_element_type3A_274 : vector<16xf32>
      %add3A_288 = arith.addf %mul3A_286, %mul3A_287 : vector<16xf32>
      %add3A_289 = arith.addf %add3A_288, %get3A_56 : vector<16xf32>
      %mul3A_290 = arith.mulf %get3A_266, %add3A_289 : vector<16xf32>
      %swap3A_291 = arith.constant 1 : i32
      %swap3A_292 = arith.index_cast %swap3A_291 : i32 to index
      %swap3A_293 = arith.index_cast %add3A_260 : i32 to index
      %swap3A_294 = tpu.vector_load %arg10[%swap3A_292, %swap3A_293] {strides = array<i32>} : memref<4x4096xf32, #tpu.memory_space<vmem>>, vector<1x16xf32>,
      %swap3A_295 = vector.shape_cast %swap3A_294 : vector<1x16xf32> to vector<16xf32>
      %swap3A_296 = vector.shape_cast %mul3A_290 : vector<16xf32> to vector<1x16xf32>
      tpu.vector_store %arg10[%swap3A_292, %swap3A_293], %swap3A_296 {strides = array<i32>} : memref<4x4096xf32, #tpu.memory_space<vmem>>, vector<1x16xf32>,
      %mul3A_297 = arith.mulf %get3A_61, %convert_element_type3A_270 : vector<16xf32>
      %mul3A_298 = arith.mulf %get3A_66, %convert_element_type3A_274 : vector<16xf32>
      %add3A_299 = arith.addf %mul3A_297, %mul3A_298 : vector<16xf32>
      %add3A_300 = arith.addf %add3A_299, %get3A_71 : vector<16xf32>
      %mul3A_301 = arith.mulf %get3A_266, %add3A_300 : vector<16xf32>
      %swap3A_302 = arith.constant 2 : i32
      %swap3A_303 = arith.index_cast %swap3A_302 : i32 to index
      %swap3A_304 = arith.index_cast %add3A_260 : i32 to index
      %swap3A_305 = tpu.vector_load %arg10[%swap3A_303, %swap3A_304] {strides = array<i32>} : memref<4x4096xf32, #tpu.memory_space<vmem>>, vector<1x16xf32>,
      %swap3A_306 = vector.shape_cast %swap3A_305 : vector<1x16xf32> to vector<16xf32>
      %swap3A_307 = vector.shape_cast %mul3A_301 : vector<16xf32> to vector<1x16xf32>
      tpu.vector_store %arg10[%swap3A_303, %swap3A_304], %swap3A_307 {strides = array<i32>} : memref<4x4096xf32, #tpu.memory_space<vmem>>, vector<1x16xf32>,
      %swap3A_308 = arith.constant 3 : i32
      %swap3A_309 = arith.index_cast %swap3A_308 : i32 to index
      %swap3A_310 = arith.index_cast %add3A_260 : i32 to index
      %swap3A_311 = tpu.vector_load %arg10[%swap3A_309, %swap3A_310] {strides = array<i32>} : memref<4x4096xf32, #tpu.memory_space<vmem>>, vector<1x16xf32>,
      %swap3A_312 = vector.shape_cast %swap3A_311 : vector<1x16xf32> to vector<16xf32>
      %swap3A_313 = vector.shape_cast %broadcast_in_dim3A_72 : vector<16xf32> to vector<1x16xf32>
      tpu.vector_store %arg10[%swap3A_309, %swap3A_310], %swap3A_313 {strides = array<i32>} : memref<4x4096xf32, #tpu.memory_space<vmem>>, vector<1x16xf32>,
      %mul3A_314 = arith.constant 128 : i32
      %mul3A_315 = arith.muli %scan3A_139, %mul3A_314 : i32
      %add3A_316 = arith.constant 2048 : i32
      %add3A_317 = arith.addi %add3A_316, %mul3A_315 : i32
      %add3A_318 = arith.constant 48 : i32
      %add3A_319 = arith.addi %add3A_317, %add3A_318 : i32
      %get3A_320 = arith.index_cast %add3A_319 : i32 to index
      %get3A_321 = tpu.vector_load %arg7[%get3A_320] {strides = array<i32>} : memref<4096xi32, #tpu.memory_space<vmem>>, vector<16xi32>,
      %get3A_322 = vector.shape_cast %get3A_321 : vector<16xi32> to vector<16xi32>
      %get3A_323 = arith.index_cast %add3A_319 : i32 to index
      %get3A_324 = tpu.vector_load %arg8[%get3A_323] {strides = array<i32>} : memref<4096xf32, #tpu.memory_space<vmem>>, vector<16xf32>,
      %get3A_325 = vector.shape_cast %get3A_324 : vector<16xf32> to vector<16xf32>
      %and3A_326 = arith.constant 511 : i32
      %and3A_327 = vector.broadcast %and3A_326 : i32 to vector<16xi32>
      %and3A_328 = arith.andi %get3A_322, %and3A_327 : vector<16xi32>
      %convert_element_type3A_329 = arith.sitofp %and3A_328 : vector<16xi32> to vector<16xf32>
      %shift_right_arithmetic3A_330 = arith.constant 9 : i32
      %shift_right_arithmetic3A_331 = vector.broadcast %shift_right_arithmetic3A_330 : i32 to vector<16xi32>
      %shift_right_arithmetic3A_332 = arith.shrsi %get3A_322, %shift_right_arithmetic3A_331 : vector<16xi32>
      %convert_element_type3A_333 = arith.sitofp %shift_right_arithmetic3A_332 : vector<16xi32> to vector<16xf32>
      %mul3A_334 = arith.mulf %get3A_31, %convert_element_type3A_329 : vector<16xf32>
      %mul3A_335 = arith.mulf %get3A_36, %convert_element_type3A_333 : vector<16xf32>
      %add3A_336 = arith.addf %mul3A_334, %mul3A_335 : vector<16xf32>
      %add3A_337 = arith.addf %add3A_336, %get3A_41 : vector<16xf32>
      %mul3A_338 = arith.mulf %get3A_325, %add3A_337 : vector<16xf32>
      %swap3A_339 = arith.constant 0 : i32
      %swap3A_340 = arith.index_cast %swap3A_339 : i32 to index
      %swap3A_341 = arith.index_cast %add3A_319 : i32 to index
      %swap3A_342 = tpu.vector_load %arg10[%swap3A_340, %swap3A_341] {strides = array<i32>} : memref<4x4096xf32, #tpu.memory_space<vmem>>, vector<1x16xf32>,
      %swap3A_343 = vector.shape_cast %swap3A_342 : vector<1x16xf32> to vector<16xf32>
      %swap3A_344 = vector.shape_cast %mul3A_338 : vector<16xf32> to vector<1x16xf32>
      tpu.vector_store %arg10[%swap3A_340, %swap3A_341], %swap3A_344 {strides = array<i32>} : memref<4x4096xf32, #tpu.memory_space<vmem>>, vector<1x16xf32>,
      %mul3A_345 = arith.mulf %get3A_46, %convert_element_type3A_329 : vector<16xf32>
      %mul3A_346 = arith.mulf %get3A_51, %convert_element_type3A_333 : vector<16xf32>
      %add3A_347 = arith.addf %mul3A_345, %mul3A_346 : vector<16xf32>
      %add3A_348 = arith.addf %add3A_347, %get3A_56 : vector<16xf32>
      %mul3A_349 = arith.mulf %get3A_325, %add3A_348 : vector<16xf32>
      %swap3A_350 = arith.constant 1 : i32
      %swap3A_351 = arith.index_cast %swap3A_350 : i32 to index
      %swap3A_352 = arith.index_cast %add3A_319 : i32 to index
      %swap3A_353 = tpu.vector_load %arg10[%swap3A_351, %swap3A_352] {strides = array<i32>} : memref<4x4096xf32, #tpu.memory_space<vmem>>, vector<1x16xf32>,
      %swap3A_354 = vector.shape_cast %swap3A_353 : vector<1x16xf32> to vector<16xf32>
      %swap3A_355 = vector.shape_cast %mul3A_349 : vector<16xf32> to vector<1x16xf32>
      tpu.vector_store %arg10[%swap3A_351, %swap3A_352], %swap3A_355 {strides = array<i32>} : memref<4x4096xf32, #tpu.memory_space<vmem>>, vector<1x16xf32>,
      %mul3A_356 = arith.mulf %get3A_61, %convert_element_type3A_329 : vector<16xf32>
      %mul3A_357 = arith.mulf %get3A_66, %convert_element_type3A_333 : vector<16xf32>
      %add3A_358 = arith.addf %mul3A_356, %mul3A_357 : vector<16xf32>
      %add3A_359 = arith.addf %add3A_358, %get3A_71 : vector<16xf32>
      %mul3A_360 = arith.mulf %get3A_325, %add3A_359 : vector<16xf32>
      %swap3A_361 = arith.constant 2 : i32
      %swap3A_362 = arith.index_cast %swap3A_361 : i32 to index
      %swap3A_363 = arith.index_cast %add3A_319 : i32 to index
      %swap3A_364 = tpu.vector_load %arg10[%swap3A_362, %swap3A_363] {strides = array<i32>} : memref<4x4096xf32, #tpu.memory_space<vmem>>, vector<1x16xf32>,
      %swap3A_365 = vector.shape_cast %swap3A_364 : vector<1x16xf32> to vector<16xf32>
      %swap3A_366 = vector.shape_cast %mul3A_360 : vector<16xf32> to vector<1x16xf32>
      tpu.vector_store %arg10[%swap3A_362, %swap3A_363], %swap3A_366 {strides = array<i32>} : memref<4x4096xf32, #tpu.memory_space<vmem>>, vector<1x16xf32>,
      %swap3A_367 = arith.constant 3 : i32
      %swap3A_368 = arith.index_cast %swap3A_367 : i32 to index
      %swap3A_369 = arith.index_cast %add3A_319 : i32 to index
      %swap3A_370 = tpu.vector_load %arg10[%swap3A_368, %swap3A_369] {strides = array<i32>} : memref<4x4096xf32, #tpu.memory_space<vmem>>, vector<1x16xf32>,
      %swap3A_371 = vector.shape_cast %swap3A_370 : vector<1x16xf32> to vector<16xf32>
      %swap3A_372 = vector.shape_cast %broadcast_in_dim3A_72 : vector<16xf32> to vector<1x16xf32>
      tpu.vector_store %arg10[%swap3A_368, %swap3A_369], %swap3A_372 {strides = array<i32>} : memref<4x4096xf32, #tpu.memory_space<vmem>>, vector<1x16xf32>,
      %mul3A_373 = arith.constant 128 : i32
      %mul3A_374 = arith.muli %scan3A_139, %mul3A_373 : i32
      %add3A_375 = arith.constant 2048 : i32
      %add3A_376 = arith.addi %add3A_375, %mul3A_374 : i32
      %add3A_377 = arith.constant 64 : i32
      %add3A_378 = arith.addi %add3A_376, %add3A_377 : i32
      %get3A_379 = arith.index_cast %add3A_378 : i32 to index
      %get3A_380 = tpu.vector_load %arg7[%get3A_379] {strides = array<i32>} : memref<4096xi32, #tpu.memory_space<vmem>>, vector<16xi32>,
      %get3A_381 = vector.shape_cast %get3A_380 : vector<16xi32> to vector<16xi32>
      %get3A_382 = arith.index_cast %add3A_378 : i32 to index
      %get3A_383 = tpu.vector_load %arg8[%get3A_382] {strides = array<i32>} : memref<4096xf32, #tpu.memory_space<vmem>>, vector<16xf32>,
      %get3A_384 = vector.shape_cast %get3A_383 : vector<16xf32> to vector<16xf32>
      %and3A_385 = arith.constant 511 : i32
      %and3A_386 = vector.broadcast %and3A_385 : i32 to vector<16xi32>
      %and3A_387 = arith.andi %get3A_381, %and3A_386 : vector<16xi32>
      %convert_element_type3A_388 = arith.sitofp %and3A_387 : vector<16xi32> to vector<16xf32>
      %shift_right_arithmetic3A_389 = arith.constant 9 : i32
      %shift_right_arithmetic3A_390 = vector.broadcast %shift_right_arithmetic3A_389 : i32 to vector<16xi32>
      %shift_right_arithmetic3A_391 = arith.shrsi %get3A_381, %shift_right_arithmetic3A_390 : vector<16xi32>
      %convert_element_type3A_392 = arith.sitofp %shift_right_arithmetic3A_391 : vector<16xi32> to vector<16xf32>
      %mul3A_393 = arith.mulf %get3A_31, %convert_element_type3A_388 : vector<16xf32>
      %mul3A_394 = arith.mulf %get3A_36, %convert_element_type3A_392 : vector<16xf32>
      %add3A_395 = arith.addf %mul3A_393, %mul3A_394 : vector<16xf32>
      %add3A_396 = arith.addf %add3A_395, %get3A_41 : vector<16xf32>
      %mul3A_397 = arith.mulf %get3A_384, %add3A_396 : vector<16xf32>
      %swap3A_398 = arith.constant 0 : i32
      %swap3A_399 = arith.index_cast %swap3A_398 : i32 to index
      %swap3A_400 = arith.index_cast %add3A_378 : i32 to index
      %swap3A_401 = tpu.vector_load %arg10[%swap3A_399, %swap3A_400] {strides = array<i32>} : memref<4x4096xf32, #tpu.memory_space<vmem>>, vector<1x16xf32>,
      %swap3A_402 = vector.shape_cast %swap3A_401 : vector<1x16xf32> to vector<16xf32>
      %swap3A_403 = vector.shape_cast %mul3A_397 : vector<16xf32> to vector<1x16xf32>
      tpu.vector_store %arg10[%swap3A_399, %swap3A_400], %swap3A_403 {strides = array<i32>} : memref<4x4096xf32, #tpu.memory_space<vmem>>, vector<1x16xf32>,
      %mul3A_404 = arith.mulf %get3A_46, %convert_element_type3A_388 : vector<16xf32>
      %mul3A_405 = arith.mulf %get3A_51, %convert_element_type3A_392 : vector<16xf32>
      %add3A_406 = arith.addf %mul3A_404, %mul3A_405 : vector<16xf32>
      %add3A_407 = arith.addf %add3A_406, %get3A_56 : vector<16xf32>
      %mul3A_408 = arith.mulf %get3A_384, %add3A_407 : vector<16xf32>
      %swap3A_409 = arith.constant 1 : i32
      %swap3A_410 = arith.index_cast %swap3A_409 : i32 to index
      %swap3A_411 = arith.index_cast %add3A_378 : i32 to index
      %swap3A_412 = tpu.vector_load %arg10[%swap3A_410, %swap3A_411] {strides = array<i32>} : memref<4x4096xf32, #tpu.memory_space<vmem>>, vector<1x16xf32>,
      %swap3A_413 = vector.shape_cast %swap3A_412 : vector<1x16xf32> to vector<16xf32>
      %swap3A_414 = vector.shape_cast %mul3A_408 : vector<16xf32> to vector<1x16xf32>
      tpu.vector_store %arg10[%swap3A_410, %swap3A_411], %swap3A_414 {strides = array<i32>} : memref<4x4096xf32, #tpu.memory_space<vmem>>, vector<1x16xf32>,
      %mul3A_415 = arith.mulf %get3A_61, %convert_element_type3A_388 : vector<16xf32>
      %mul3A_416 = arith.mulf %get3A_66, %convert_element_type3A_392 : vector<16xf32>
      %add3A_417 = arith.addf %mul3A_415, %mul3A_416 : vector<16xf32>
      %add3A_418 = arith.addf %add3A_417, %get3A_71 : vector<16xf32>
      %mul3A_419 = arith.mulf %get3A_384, %add3A_418 : vector<16xf32>
      %swap3A_420 = arith.constant 2 : i32
      %swap3A_421 = arith.index_cast %swap3A_420 : i32 to index
      %swap3A_422 = arith.index_cast %add3A_378 : i32 to index
      %swap3A_423 = tpu.vector_load %arg10[%swap3A_421, %swap3A_422] {strides = array<i32>} : memref<4x4096xf32, #tpu.memory_space<vmem>>, vector<1x16xf32>,
      %swap3A_424 = vector.shape_cast %swap3A_423 : vector<1x16xf32> to vector<16xf32>
      %swap3A_425 = vector.shape_cast %mul3A_419 : vector<16xf32> to vector<1x16xf32>
      tpu.vector_store %arg10[%swap3A_421, %swap3A_422], %swap3A_425 {strides = array<i32>} : memref<4x4096xf32, #tpu.memory_space<vmem>>, vector<1x16xf32>,
      %swap3A_426 = arith.constant 3 : i32
      %swap3A_427 = arith.index_cast %swap3A_426 : i32 to index
      %swap3A_428 = arith.index_cast %add3A_378 : i32 to index
      %swap3A_429 = tpu.vector_load %arg10[%swap3A_427, %swap3A_428] {strides = array<i32>} : memref<4x4096xf32, #tpu.memory_space<vmem>>, vector<1x16xf32>,
      %swap3A_430 = vector.shape_cast %swap3A_429 : vector<1x16xf32> to vector<16xf32>
      %swap3A_431 = vector.shape_cast %broadcast_in_dim3A_72 : vector<16xf32> to vector<1x16xf32>
      tpu.vector_store %arg10[%swap3A_427, %swap3A_428], %swap3A_431 {strides = array<i32>} : memref<4x4096xf32, #tpu.memory_space<vmem>>, vector<1x16xf32>,
      %mul3A_432 = arith.constant 128 : i32
      %mul3A_433 = arith.muli %scan3A_139, %mul3A_432 : i32
      %add3A_434 = arith.constant 2048 : i32
      %add3A_435 = arith.addi %add3A_434, %mul3A_433 : i32
      %add3A_436 = arith.constant 80 : i32
      %add3A_437 = arith.addi %add3A_435, %add3A_436 : i32
      %get3A_438 = arith.index_cast %add3A_437 : i32 to index
      %get3A_439 = tpu.vector_load %arg7[%get3A_438] {strides = array<i32>} : memref<4096xi32, #tpu.memory_space<vmem>>, vector<16xi32>,
      %get3A_440 = vector.shape_cast %get3A_439 : vector<16xi32> to vector<16xi32>
      %get3A_441 = arith.index_cast %add3A_437 : i32 to index
      %get3A_442 = tpu.vector_load %arg8[%get3A_441] {strides = array<i32>} : memref<4096xf32, #tpu.memory_space<vmem>>, vector<16xf32>,
      %get3A_443 = vector.shape_cast %get3A_442 : vector<16xf32> to vector<16xf32>
      %and3A_444 = arith.constant 511 : i32
      %and3A_445 = vector.broadcast %and3A_444 : i32 to vector<16xi32>
      %and3A_446 = arith.andi %get3A_440, %and3A_445 : vector<16xi32>
      %convert_element_type3A_447 = arith.sitofp %and3A_446 : vector<16xi32> to vector<16xf32>
      %shift_right_arithmetic3A_448 = arith.constant 9 : i32
      %shift_right_arithmetic3A_449 = vector.broadcast %shift_right_arithmetic3A_448 : i32 to vector<16xi32>
      %shift_right_arithmetic3A_450 = arith.shrsi %get3A_440, %shift_right_arithmetic3A_449 : vector<16xi32>
      %convert_element_type3A_451 = arith.sitofp %shift_right_arithmetic3A_450 : vector<16xi32> to vector<16xf32>
      %mul3A_452 = arith.mulf %get3A_31, %convert_element_type3A_447 : vector<16xf32>
      %mul3A_453 = arith.mulf %get3A_36, %convert_element_type3A_451 : vector<16xf32>
      %add3A_454 = arith.addf %mul3A_452, %mul3A_453 : vector<16xf32>
      %add3A_455 = arith.addf %add3A_454, %get3A_41 : vector<16xf32>
      %mul3A_456 = arith.mulf %get3A_443, %add3A_455 : vector<16xf32>
      %swap3A_457 = arith.constant 0 : i32
      %swap3A_458 = arith.index_cast %swap3A_457 : i32 to index
      %swap3A_459 = arith.index_cast %add3A_437 : i32 to index
      %swap3A_460 = tpu.vector_load %arg10[%swap3A_458, %swap3A_459] {strides = array<i32>} : memref<4x4096xf32, #tpu.memory_space<vmem>>, vector<1x16xf32>,
      %swap3A_461 = vector.shape_cast %swap3A_460 : vector<1x16xf32> to vector<16xf32>
      %swap3A_462 = vector.shape_cast %mul3A_456 : vector<16xf32> to vector<1x16xf32>
      tpu.vector_store %arg10[%swap3A_458, %swap3A_459], %swap3A_462 {strides = array<i32>} : memref<4x4096xf32, #tpu.memory_space<vmem>>, vector<1x16xf32>,
      %mul3A_463 = arith.mulf %get3A_46, %convert_element_type3A_447 : vector<16xf32>
      %mul3A_464 = arith.mulf %get3A_51, %convert_element_type3A_451 : vector<16xf32>
      %add3A_465 = arith.addf %mul3A_463, %mul3A_464 : vector<16xf32>
      %add3A_466 = arith.addf %add3A_465, %get3A_56 : vector<16xf32>
      %mul3A_467 = arith.mulf %get3A_443, %add3A_466 : vector<16xf32>
      %swap3A_468 = arith.constant 1 : i32
      %swap3A_469 = arith.index_cast %swap3A_468 : i32 to index
      %swap3A_470 = arith.index_cast %add3A_437 : i32 to index
      %swap3A_471 = tpu.vector_load %arg10[%swap3A_469, %swap3A_470] {strides = array<i32>} : memref<4x4096xf32, #tpu.memory_space<vmem>>, vector<1x16xf32>,
      %swap3A_472 = vector.shape_cast %swap3A_471 : vector<1x16xf32> to vector<16xf32>
      %swap3A_473 = vector.shape_cast %mul3A_467 : vector<16xf32> to vector<1x16xf32>
      tpu.vector_store %arg10[%swap3A_469, %swap3A_470], %swap3A_473 {strides = array<i32>} : memref<4x4096xf32, #tpu.memory_space<vmem>>, vector<1x16xf32>,
      %mul3A_474 = arith.mulf %get3A_61, %convert_element_type3A_447 : vector<16xf32>
      %mul3A_475 = arith.mulf %get3A_66, %convert_element_type3A_451 : vector<16xf32>
      %add3A_476 = arith.addf %mul3A_474, %mul3A_475 : vector<16xf32>
      %add3A_477 = arith.addf %add3A_476, %get3A_71 : vector<16xf32>
      %mul3A_478 = arith.mulf %get3A_443, %add3A_477 : vector<16xf32>
      %swap3A_479 = arith.constant 2 : i32
      %swap3A_480 = arith.index_cast %swap3A_479 : i32 to index
      %swap3A_481 = arith.index_cast %add3A_437 : i32 to index
      %swap3A_482 = tpu.vector_load %arg10[%swap3A_480, %swap3A_481] {strides = array<i32>} : memref<4x4096xf32, #tpu.memory_space<vmem>>, vector<1x16xf32>,
      %swap3A_483 = vector.shape_cast %swap3A_482 : vector<1x16xf32> to vector<16xf32>
      %swap3A_484 = vector.shape_cast %mul3A_478 : vector<16xf32> to vector<1x16xf32>
      tpu.vector_store %arg10[%swap3A_480, %swap3A_481], %swap3A_484 {strides = array<i32>} : memref<4x4096xf32, #tpu.memory_space<vmem>>, vector<1x16xf32>,
      %swap3A_485 = arith.constant 3 : i32
      %swap3A_486 = arith.index_cast %swap3A_485 : i32 to index
      %swap3A_487 = arith.index_cast %add3A_437 : i32 to index
      %swap3A_488 = tpu.vector_load %arg10[%swap3A_486, %swap3A_487] {strides = array<i32>} : memref<4x4096xf32, #tpu.memory_space<vmem>>, vector<1x16xf32>,
      %swap3A_489 = vector.shape_cast %swap3A_488 : vector<1x16xf32> to vector<16xf32>
      %swap3A_490 = vector.shape_cast %broadcast_in_dim3A_72 : vector<16xf32> to vector<1x16xf32>
      tpu.vector_store %arg10[%swap3A_486, %swap3A_487], %swap3A_490 {strides = array<i32>} : memref<4x4096xf32, #tpu.memory_space<vmem>>, vector<1x16xf32>,
      %mul3A_491 = arith.constant 128 : i32
      %mul3A_492 = arith.muli %scan3A_139, %mul3A_491 : i32
      %add3A_493 = arith.constant 2048 : i32
      %add3A_494 = arith.addi %add3A_493, %mul3A_492 : i32
      %add3A_495 = arith.constant 96 : i32
      %add3A_496 = arith.addi %add3A_494, %add3A_495 : i32
      %get3A_497 = arith.index_cast %add3A_496 : i32 to index
      %get3A_498 = tpu.vector_load %arg7[%get3A_497] {strides = array<i32>} : memref<4096xi32, #tpu.memory_space<vmem>>, vector<16xi32>,
      %get3A_499 = vector.shape_cast %get3A_498 : vector<16xi32> to vector<16xi32>
      %get3A_500 = arith.index_cast %add3A_496 : i32 to index
      %get3A_501 = tpu.vector_load %arg8[%get3A_500] {strides = array<i32>} : memref<4096xf32, #tpu.memory_space<vmem>>, vector<16xf32>,
      %get3A_502 = vector.shape_cast %get3A_501 : vector<16xf32> to vector<16xf32>
      %and3A_503 = arith.constant 511 : i32
      %and3A_504 = vector.broadcast %and3A_503 : i32 to vector<16xi32>
      %and3A_505 = arith.andi %get3A_499, %and3A_504 : vector<16xi32>
      %convert_element_type3A_506 = arith.sitofp %and3A_505 : vector<16xi32> to vector<16xf32>
      %shift_right_arithmetic3A_507 = arith.constant 9 : i32
      %shift_right_arithmetic3A_508 = vector.broadcast %shift_right_arithmetic3A_507 : i32 to vector<16xi32>
      %shift_right_arithmetic3A_509 = arith.shrsi %get3A_499, %shift_right_arithmetic3A_508 : vector<16xi32>
      %convert_element_type3A_510 = arith.sitofp %shift_right_arithmetic3A_509 : vector<16xi32> to vector<16xf32>
      %mul3A_511 = arith.mulf %get3A_31, %convert_element_type3A_506 : vector<16xf32>
      %mul3A_512 = arith.mulf %get3A_36, %convert_element_type3A_510 : vector<16xf32>
      %add3A_513 = arith.addf %mul3A_511, %mul3A_512 : vector<16xf32>
      %add3A_514 = arith.addf %add3A_513, %get3A_41 : vector<16xf32>
      %mul3A_515 = arith.mulf %get3A_502, %add3A_514 : vector<16xf32>
      %swap3A_516 = arith.constant 0 : i32
      %swap3A_517 = arith.index_cast %swap3A_516 : i32 to index
      %swap3A_518 = arith.index_cast %add3A_496 : i32 to index
      %swap3A_519 = tpu.vector_load %arg10[%swap3A_517, %swap3A_518] {strides = array<i32>} : memref<4x4096xf32, #tpu.memory_space<vmem>>, vector<1x16xf32>,
      %swap3A_520 = vector.shape_cast %swap3A_519 : vector<1x16xf32> to vector<16xf32>
      %swap3A_521 = vector.shape_cast %mul3A_515 : vector<16xf32> to vector<1x16xf32>
      tpu.vector_store %arg10[%swap3A_517, %swap3A_518], %swap3A_521 {strides = array<i32>} : memref<4x4096xf32, #tpu.memory_space<vmem>>, vector<1x16xf32>,
      %mul3A_522 = arith.mulf %get3A_46, %convert_element_type3A_506 : vector<16xf32>
      %mul3A_523 = arith.mulf %get3A_51, %convert_element_type3A_510 : vector<16xf32>
      %add3A_524 = arith.addf %mul3A_522, %mul3A_523 : vector<16xf32>
      %add3A_525 = arith.addf %add3A_524, %get3A_56 : vector<16xf32>
      %mul3A_526 = arith.mulf %get3A_502, %add3A_525 : vector<16xf32>
      %swap3A_527 = arith.constant 1 : i32
      %swap3A_528 = arith.index_cast %swap3A_527 : i32 to index
      %swap3A_529 = arith.index_cast %add3A_496 : i32 to index
      %swap3A_530 = tpu.vector_load %arg10[%swap3A_528, %swap3A_529] {strides = array<i32>} : memref<4x4096xf32, #tpu.memory_space<vmem>>, vector<1x16xf32>,
      %swap3A_531 = vector.shape_cast %swap3A_530 : vector<1x16xf32> to vector<16xf32>
      %swap3A_532 = vector.shape_cast %mul3A_526 : vector<16xf32> to vector<1x16xf32>
      tpu.vector_store %arg10[%swap3A_528, %swap3A_529], %swap3A_532 {strides = array<i32>} : memref<4x4096xf32, #tpu.memory_space<vmem>>, vector<1x16xf32>,
      %mul3A_533 = arith.mulf %get3A_61, %convert_element_type3A_506 : vector<16xf32>
      %mul3A_534 = arith.mulf %get3A_66, %convert_element_type3A_510 : vector<16xf32>
      %add3A_535 = arith.addf %mul3A_533, %mul3A_534 : vector<16xf32>
      %add3A_536 = arith.addf %add3A_535, %get3A_71 : vector<16xf32>
      %mul3A_537 = arith.mulf %get3A_502, %add3A_536 : vector<16xf32>
      %swap3A_538 = arith.constant 2 : i32
      %swap3A_539 = arith.index_cast %swap3A_538 : i32 to index
      %swap3A_540 = arith.index_cast %add3A_496 : i32 to index
      %swap3A_541 = tpu.vector_load %arg10[%swap3A_539, %swap3A_540] {strides = array<i32>} : memref<4x4096xf32, #tpu.memory_space<vmem>>, vector<1x16xf32>,
      %swap3A_542 = vector.shape_cast %swap3A_541 : vector<1x16xf32> to vector<16xf32>
      %swap3A_543 = vector.shape_cast %mul3A_537 : vector<16xf32> to vector<1x16xf32>
      tpu.vector_store %arg10[%swap3A_539, %swap3A_540], %swap3A_543 {strides = array<i32>} : memref<4x4096xf32, #tpu.memory_space<vmem>>, vector<1x16xf32>,
      %swap3A_544 = arith.constant 3 : i32
      %swap3A_545 = arith.index_cast %swap3A_544 : i32 to index
      %swap3A_546 = arith.index_cast %add3A_496 : i32 to index
      %swap3A_547 = tpu.vector_load %arg10[%swap3A_545, %swap3A_546] {strides = array<i32>} : memref<4x4096xf32, #tpu.memory_space<vmem>>, vector<1x16xf32>,
      %swap3A_548 = vector.shape_cast %swap3A_547 : vector<1x16xf32> to vector<16xf32>
      %swap3A_549 = vector.shape_cast %broadcast_in_dim3A_72 : vector<16xf32> to vector<1x16xf32>
      tpu.vector_store %arg10[%swap3A_545, %swap3A_546], %swap3A_549 {strides = array<i32>} : memref<4x4096xf32, #tpu.memory_space<vmem>>, vector<1x16xf32>,
      %mul3A_550 = arith.constant 128 : i32
      %mul3A_551 = arith.muli %scan3A_139, %mul3A_550 : i32
      %add3A_552 = arith.constant 2048 : i32
      %add3A_553 = arith.addi %add3A_552, %mul3A_551 : i32
      %add3A_554 = arith.constant 112 : i32
      %add3A_555 = arith.addi %add3A_553, %add3A_554 : i32
      %get3A_556 = arith.index_cast %add3A_555 : i32 to index
      %get3A_557 = tpu.vector_load %arg7[%get3A_556] {strides = array<i32>} : memref<4096xi32, #tpu.memory_space<vmem>>, vector<16xi32>,
      %get3A_558 = vector.shape_cast %get3A_557 : vector<16xi32> to vector<16xi32>
      %get3A_559 = arith.index_cast %add3A_555 : i32 to index
      %get3A_560 = tpu.vector_load %arg8[%get3A_559] {strides = array<i32>} : memref<4096xf32, #tpu.memory_space<vmem>>, vector<16xf32>,
      %get3A_561 = vector.shape_cast %get3A_560 : vector<16xf32> to vector<16xf32>
      %and3A_562 = arith.constant 511 : i32
      %and3A_563 = vector.broadcast %and3A_562 : i32 to vector<16xi32>
      %and3A_564 = arith.andi %get3A_558, %and3A_563 : vector<16xi32>
      %convert_element_type3A_565 = arith.sitofp %and3A_564 : vector<16xi32> to vector<16xf32>
      %shift_right_arithmetic3A_566 = arith.constant 9 : i32
      %shift_right_arithmetic3A_567 = vector.broadcast %shift_right_arithmetic3A_566 : i32 to vector<16xi32>
      %shift_right_arithmetic3A_568 = arith.shrsi %get3A_558, %shift_right_arithmetic3A_567 : vector<16xi32>
      %convert_element_type3A_569 = arith.sitofp %shift_right_arithmetic3A_568 : vector<16xi32> to vector<16xf32>
      %mul3A_570 = arith.mulf %get3A_31, %convert_element_type3A_565 : vector<16xf32>
      %mul3A_571 = arith.mulf %get3A_36, %convert_element_type3A_569 : vector<16xf32>
      %add3A_572 = arith.addf %mul3A_570, %mul3A_571 : vector<16xf32>
      %add3A_573 = arith.addf %add3A_572, %get3A_41 : vector<16xf32>
      %mul3A_574 = arith.mulf %get3A_561, %add3A_573 : vector<16xf32>
      %swap3A_575 = arith.constant 0 : i32
      %swap3A_576 = arith.index_cast %swap3A_575 : i32 to index
      %swap3A_577 = arith.index_cast %add3A_555 : i32 to index
      %swap3A_578 = tpu.vector_load %arg10[%swap3A_576, %swap3A_577] {strides = array<i32>} : memref<4x4096xf32, #tpu.memory_space<vmem>>, vector<1x16xf32>,
      %swap3A_579 = vector.shape_cast %swap3A_578 : vector<1x16xf32> to vector<16xf32>
      %swap3A_580 = vector.shape_cast %mul3A_574 : vector<16xf32> to vector<1x16xf32>
      tpu.vector_store %arg10[%swap3A_576, %swap3A_577], %swap3A_580 {strides = array<i32>} : memref<4x4096xf32, #tpu.memory_space<vmem>>, vector<1x16xf32>,
      %mul3A_581 = arith.mulf %get3A_46, %convert_element_type3A_565 : vector<16xf32>
      %mul3A_582 = arith.mulf %get3A_51, %convert_element_type3A_569 : vector<16xf32>
      %add3A_583 = arith.addf %mul3A_581, %mul3A_582 : vector<16xf32>
      %add3A_584 = arith.addf %add3A_583, %get3A_56 : vector<16xf32>
      %mul3A_585 = arith.mulf %get3A_561, %add3A_584 : vector<16xf32>
      %swap3A_586 = arith.constant 1 : i32
      %swap3A_587 = arith.index_cast %swap3A_586 : i32 to index
      %swap3A_588 = arith.index_cast %add3A_555 : i32 to index
      %swap3A_589 = tpu.vector_load %arg10[%swap3A_587, %swap3A_588] {strides = array<i32>} : memref<4x4096xf32, #tpu.memory_space<vmem>>, vector<1x16xf32>,
      %swap3A_590 = vector.shape_cast %swap3A_589 : vector<1x16xf32> to vector<16xf32>
      %swap3A_591 = vector.shape_cast %mul3A_585 : vector<16xf32> to vector<1x16xf32>
      tpu.vector_store %arg10[%swap3A_587, %swap3A_588], %swap3A_591 {strides = array<i32>} : memref<4x4096xf32, #tpu.memory_space<vmem>>, vector<1x16xf32>,
      %mul3A_592 = arith.mulf %get3A_61, %convert_element_type3A_565 : vector<16xf32>
      %mul3A_593 = arith.mulf %get3A_66, %convert_element_type3A_569 : vector<16xf32>
      %add3A_594 = arith.addf %mul3A_592, %mul3A_593 : vector<16xf32>
      %add3A_595 = arith.addf %add3A_594, %get3A_71 : vector<16xf32>
      %mul3A_596 = arith.mulf %get3A_561, %add3A_595 : vector<16xf32>
      %swap3A_597 = arith.constant 2 : i32
      %swap3A_598 = arith.index_cast %swap3A_597 : i32 to index
      %swap3A_599 = arith.index_cast %add3A_555 : i32 to index
      %swap3A_600 = tpu.vector_load %arg10[%swap3A_598, %swap3A_599] {strides = array<i32>} : memref<4x4096xf32, #tpu.memory_space<vmem>>, vector<1x16xf32>,
      %swap3A_601 = vector.shape_cast %swap3A_600 : vector<1x16xf32> to vector<16xf32>
      %swap3A_602 = vector.shape_cast %mul3A_596 : vector<16xf32> to vector<1x16xf32>
      tpu.vector_store %arg10[%swap3A_598, %swap3A_599], %swap3A_602 {strides = array<i32>} : memref<4x4096xf32, #tpu.memory_space<vmem>>, vector<1x16xf32>,
      %swap3A_603 = arith.constant 3 : i32
      %swap3A_604 = arith.index_cast %swap3A_603 : i32 to index
      %swap3A_605 = arith.index_cast %add3A_555 : i32 to index
      %swap3A_606 = tpu.vector_load %arg10[%swap3A_604, %swap3A_605] {strides = array<i32>} : memref<4x4096xf32, #tpu.memory_space<vmem>>, vector<1x16xf32>,
      %swap3A_607 = vector.shape_cast %swap3A_606 : vector<1x16xf32> to vector<16xf32>
      %swap3A_608 = vector.shape_cast %broadcast_in_dim3A_72 : vector<16xf32> to vector<1x16xf32>
      tpu.vector_store %arg10[%swap3A_604, %swap3A_605], %swap3A_608 {strides = array<i32>} : memref<4x4096xf32, #tpu.memory_space<vmem>>, vector<1x16xf32>,
    }
    %scan3A_100 = arith.constant 16 : i32
    %add3A_101 = arith.constant 2048 : i32
    %add3A_102 = arith.addi %mul3A_20, %add3A_101 : i32
    %dma_start3A_103 = arith.constant 0 : i32
    %dma_start3A_104 = arith.constant 2048 : i32
    %dma_start3A_105 = tpu.memref_slice %arg10[%dma_start3A_103, %dma_start3A_104] : memref<4x4096xf32, #tpu.memory_space<vmem>> -> memref<4x2048xf32, #tpu.memory_space<vmem>>
    %dma_start3A_106 = arith.constant 0 : i32
    %dma_start3A_107 = tpu.memref_slice %arg5[%select_n3A, %dma_start3A_106, %add3A_102] : memref<8x4x16384xf32, #tpu.memory_space<hbm>> -> memref<1x4x2048xf32, #tpu.memory_space<hbm>>
    %dma_start3A_108 = tpu.memref_squeeze %dma_start3A_107 : memref<1x4x2048xf32, #tpu.memory_space<hbm>> -> memref<4x2048xf32, #tpu.memory_space<hbm>>
    %dma_start3A_109 = arith.constant 0 : i32
    %dma_start3A_110 = tpu.memref_slice %arg5[%select_n3A, %dma_start3A_109, %add3A_102] : memref<8x4x16384xf32, #tpu.memory_space<hbm>> -> memref<1x4x2048xf32, #tpu.memory_space<hbm>>
    %dma_start3A_111 = tpu.memref_squeeze %dma_start3A_110 : memref<1x4x2048xf32, #tpu.memory_space<hbm>> -> memref<4x2048xf32, #tpu.memory_space<hbm>>
    %dma_start3A_112 = arith.constant 0 : i32
    %dma_start3A_113 = arith.constant 2048 : i32
    %dma_start3A_114 = tpu.memref_slice %arg10[%dma_start3A_112, %dma_start3A_113] : memref<4x4096xf32, #tpu.memory_space<vmem>> -> memref<4x2048xf32, #tpu.memory_space<vmem>>
    tpu.enqueue_dma source(%dma_start3A_114 : memref<4x2048xf32, #tpu.memory_space<vmem>>) target(%dma_start3A_111 : memref<4x2048xf32, #tpu.memory_space<hbm>>) target_semaphore(%arg12 : memref<!tpu.dma_semaphore, #tpu.memory_space<semaphore_mem>>)
    %dma_wait3A_115 = arith.constant 0 : i32
    %dma_wait3A_116 = arith.constant 0 : i32
    %dma_wait3A_117 = tpu.memref_slice %arg10[%dma_wait3A_115, %dma_wait3A_116] : memref<4x4096xf32, #tpu.memory_space<vmem>> -> memref<4x2048xf32, #tpu.memory_space<vmem>>
    %dma_wait3A_118 = arith.constant 0 : i32
    %dma_wait3A_119 = tpu.memref_slice %arg5[%select_n3A, %dma_wait3A_118, %add3A_83] : memref<8x4x16384xf32, #tpu.memory_space<hbm>> -> memref<1x4x2048xf32, #tpu.memory_space<hbm>>
    %dma_wait3A_120 = tpu.memref_squeeze %dma_wait3A_119 : memref<1x4x2048xf32, #tpu.memory_space<hbm>> -> memref<4x2048xf32, #tpu.memory_space<hbm>>
    %dma_wait3A_121 = arith.constant 0 : i32
    %dma_wait3A_122 = tpu.memref_slice %arg5[%select_n3A, %dma_wait3A_121, %add3A_83] : memref<8x4x16384xf32, #tpu.memory_space<hbm>> -> memref<1x4x2048xf32, #tpu.memory_space<hbm>>
    %dma_wait3A_123 = tpu.memref_squeeze %dma_wait3A_122 : memref<1x4x2048xf32, #tpu.memory_space<hbm>> -> memref<4x2048xf32, #tpu.memory_space<hbm>>
    %dma_wait3A_124 = arith.constant 0 : i32
    %dma_wait3A_125 = arith.constant 0 : i32
    %dma_wait3A_126 = tpu.memref_slice %arg10[%dma_wait3A_124, %dma_wait3A_125] : memref<4x4096xf32, #tpu.memory_space<vmem>> -> memref<4x2048xf32, #tpu.memory_space<vmem>>
    tpu.wait_dma2 semaphore(%arg12 : memref<!tpu.dma_semaphore, #tpu.memory_space<semaphore_mem>>) src(%dma_wait3A_126 : memref<4x2048xf32, #tpu.memory_space<vmem>>) dst(%dma_wait3A_123 : memref<4x2048xf32, #tpu.memory_space<hbm>>)
    %dma_wait3A_127 = arith.constant 0 : i32
    %dma_wait3A_128 = arith.constant 2048 : i32
    %dma_wait3A_129 = tpu.memref_slice %arg10[%dma_wait3A_127, %dma_wait3A_128] : memref<4x4096xf32, #tpu.memory_space<vmem>> -> memref<4x2048xf32, #tpu.memory_space<vmem>>
    %dma_wait3A_130 = arith.constant 0 : i32
    %dma_wait3A_131 = tpu.memref_slice %arg5[%select_n3A, %dma_wait3A_130, %add3A_102] : memref<8x4x16384xf32, #tpu.memory_space<hbm>> -> memref<1x4x2048xf32, #tpu.memory_space<hbm>>
    %dma_wait3A_132 = tpu.memref_squeeze %dma_wait3A_131 : memref<1x4x2048xf32, #tpu.memory_space<hbm>> -> memref<4x2048xf32, #tpu.memory_space<hbm>>
    %dma_wait3A_133 = arith.constant 0 : i32
    %dma_wait3A_134 = tpu.memref_slice %arg5[%select_n3A, %dma_wait3A_133, %add3A_102] : memref<8x4x16384xf32, #tpu.memory_space<hbm>> -> memref<1x4x2048xf32, #tpu.memory_space<hbm>>
    %dma_wait3A_135 = tpu.memref_squeeze %dma_wait3A_134 : memref<1x4x2048xf32, #tpu.memory_space<hbm>> -> memref<4x2048xf32, #tpu.memory_space<hbm>>
    %dma_wait3A_136 = arith.constant 0 : i32
    %dma_wait3A_137 = arith.constant 2048 : i32
    %dma_wait3A_138 = tpu.memref_slice %arg10[%dma_wait3A_136, %dma_wait3A_137] : memref<4x4096xf32, #tpu.memory_space<vmem>> -> memref<4x2048xf32, #tpu.memory_space<vmem>>
    tpu.wait_dma2 semaphore(%arg12 : memref<!tpu.dma_semaphore, #tpu.memory_space<semaphore_mem>>) src(%dma_wait3A_138 : memref<4x2048xf32, #tpu.memory_space<vmem>>) dst(%dma_wait3A_135 : memref<4x2048xf32, #tpu.memory_space<hbm>>)
    return
  }
}

</mosaic_0001>

<sc_bundles>
// kernel: _backproject.3.cloned.1.call-start
scs
__scs_entry_jumppad:
0x0: {  	(pc) =	sbr.rel $0x88, $3  }
0x1: {  	(tag) =	ssettag $0x0;
	lr =	simm.s32 $0x1  }
0x2: {  	[smem:$0x3F9E] =	sst lr;
	_ =	strace $0xD0000000  }
0x3: {  	_ = 	snop  }
0x4: {  	_ = 	snop  }
0x5: {  	_ = 	snop  }
0x6: {  	_ = 	snop  }
0x7: {  	_ = 	snop  }
__scs_overlays_trampoline_lowered:
0x8: {  	[smem:$0x3FAD] =	sst s0  }
0x9: {  	[smem:$0x3FAE] =	sst s1  }
0xa: {  	[smem:$0x3FAF] =	sst s2  }
0xb: {  	[smem:$0x3FB0] =	sst s3  }
0xc: {  	[smem:$0x3FB1] =	sst s4  }
0xd: {  	[smem:$0x3FB2] =	sst s5  }
0xe: {  	[smem:$0x3FB3] =	sst s6  }
0xf: {  	[smem:$0x3FB4] =	sst s7  }
0x10: {  	[smem:$0x3FB5] =	sst s8  }
0x11: {  	[smem:$0x3FB6] =	sst s9;
	s0 =	simm.s32 @!p0 $0x0  }
0x12: {  	s1 =	sld [smem:$0x3F9C];
	s0 =	simm.s32 @p0 $0x1  }
0x13: {  	[smem:$0x3FB7] =	sst s0;
	s0 =	simm.s32 @!p1 $0x0  }
0x14: {  	s2 =	sld [smem:$0x3F9B];
	s0 =	simm.s32 @p1 $0x1  }
0x15: {  	[smem:$0x3FB8] =	sst s0;
	s0 =	simm.s32 @!p2 $0x0  }
0x16: {  	s3 =	sld [smem:$0x3FDB];
	s0 =	simm.s32 @p2 $0x1  }
0x17: {  	s4 =	simm.s32 $0x1BF5;
	[smem:$0x3FBA] =	sst s0  }
0x18: {  	s0 =	sld [smem:$0x3F9D];
	_ =	swait.ge [sflag:s4], $0x0  }
0x19: {  	s7 =	sld [smem:$0x3F9E]  }
0x1a: {  	s8 =	sadd.s32 $0xFFFFE003, lr  }
0x1b: {  	s9 =	sadd.s32 $0xFFFFFEF7, lr;
	s5 =	simm.s32 $0xFFFFFFFF;
	p2 =	slt.u32 s8, $0xFFFFF086  }
0x1c: {  	p1 =	slt.u32 s9, $0xF7A;
	s5 =	simm.s32 @!p2 $0x0  }
0x1d: {  	s5 =	simm.s32 @p1 $0x1;
	p0 =	seq.s32 s7, s2  }
0x1e: {  	s7 =	smul.u32 @!p0 $0xF7A, s2;
	p2 =	seq.s32 @!p0 s5, $0x0  }
0x1f: {  	s9 =	smul.u32 $0xF7A, s1;
	s8 =	simm.s32 @!p0 $0x1BF5;
	p2 =	por !p2, p0  }
0x20: {  	[sflag:s8] =	ssyncset.s32 @!p0 $0xFFFFF086;
	s6 =	sadd.s32 @!p0 s3, s7;
	s7 =	simm.s32 @!p0 $0x108  }
0x21: {  	s3 =	sadd.s32 s3, s9;
	s6 =	sadd.s32 @!p0 $0x88, s6;
	s7 =	simm.s32 @p2 $0x1082  }
0x22: {  	[simem:s7], [sflag:s8] =	dma.local @!p0 [hbm:s6], $0xF7A  }
0x23: {  	s9 =	sor.u32 $0xD0000000, s2;
	s6 =	simm.s32 $0x108;
	_ =	swait.ge @!p0 [sflag:s8], $0x0  }
0x24: {  	s3 =	sadd.s32 $0x88, s3;
	s6 =	simm.s32 @!p1 $0x1082;
	[sflag:s4] =	ssyncset.s32 $0xFFFFF086  }
0x25: {  	[simem:s6], [sflag:s4] =	dma.local [hbm:s3], $0xF7A  }
0x26: {  	[smem:$0x3F9E] =	sst s1;
	(tag) =	ssettag s2;
	_ =	strace s9  }
0x27: {  	s1 =	sld [smem:$0x3FAE]  }
0x28: {  	s2 =	sld [smem:$0x3FAF]  }
0x29: {  	s4 =	sld [smem:$0x3FB1]  }
0x2a: {  	p0 =	seq.s32 s5, $0x0;
	s5 =	sld [smem:$0x3FB2]  }
0x2b: {  	s6 =	sld [smem:$0x3FB3]  }
0x2c: {  	s7 =	sld [smem:$0x3FB4]  }
0x2d: {  	s3 =	simm.s32 $0x108;
	s8 =	sld [smem:$0x3FB5]  }
0x2e: {  	s3 =	simm.s32 @!p0 $0x1082;
	s9 =	sld [smem:$0x3FB6]  }
0x2f: {  	lr =	sadd.s32 s0, s3;
	s0 =	sld [smem:$0x3FAD]  }
0x30: {  	s3 =	sld [smem:$0x3FB0]  }
0x31: {  	[smem:$0x3FB9] =	sst s10  }
0x32: {  	s10 =	sld [smem:$0x3FB7];
	_ =	sdelay $0x3  }
0x33: {  	p0 =	seq.s32 s10, $0x1;
	s10 =	sld [smem:$0x3FB9];
	_ =	sdelay $0x3  }
0x34: {  	[smem:$0x3FB9] =	sst s10  }
0x35: {  	s10 =	sld [smem:$0x3FB8];
	_ =	sdelay $0x3  }
0x36: {  	p1 =	seq.s32 s10, $0x1;
	s10 =	sld [smem:$0x3FB9];
	_ =	sdelay $0x3  }
0x37: {  	[smem:$0x3FB9] =	sst s10  }
0x38: {  	s10 =	sld [smem:$0x3FBA]  }
0x39: {  	_ = 	snop;
	(pc) =	sbr.ind lr, $3  }
0x3a: {  	_ = 	snop  }
0x3b: {  	_ = 	snop  }
0x3c: {  	p2 =	seq.s32 s10, $0x1;
	s10 =	sld [smem:$0x3FB9]  }
0x3d: {  	_ =	shalt  }
0x3e: {  	_ =	shalt  }
0x3f: {  	_ =	shalt  }
0x40: {  	_ =	shalt  }
0x41: {  	_ =	shalt  }
0x42: {  	_ =	shalt  }
0x43: {  	_ =	shalt  }
0x44: {  	_ =	shalt  }
0x45: {  	_ =	shalt  }
0x46: {  	_ =	shalt  }
0x47: {  	_ =	shalt  }
0x48: {  	_ =	shalt  }
0x49: {  	_ =	shalt  }
0x4a: {  	_ =	shalt  }
0x4b: {  	_ =	shalt  }
0x4c: {  	_ =	shalt  }
0x4d: {  	_ =	shalt  }
0x4e: {  	_ =	shalt  }
0x4f: {  	_ =	shalt  }
0x50: {  	_ =	shalt  }
0x51: {  	_ =	shalt  }
0x52: {  	_ =	shalt  }
0x53: {  	_ =	shalt  }
0x54: {  	_ =	shalt  }
0x55: {  	_ =	shalt  }
0x56: {  	_ =	shalt  }
0x57: {  	_ =	shalt  }
0x58: {  	_ =	shalt  }
0x59: {  	_ =	shalt  }
0x5a: {  	_ =	shalt  }
0x5b: {  	_ =	shalt  }
0x5c: {  	_ =	shalt  }
0x5d: {  	_ =	shalt  }
0x5e: {  	_ =	shalt  }
0x5f: {  	_ =	shalt  }
0x60: {  	_ =	shalt  }
0x61: {  	_ =	shalt  }
0x62: {  	_ =	shalt  }
0x63: {  	_ =	shalt  }
0x64: {  	_ =	shalt  }
0x65: {  	_ =	shalt  }
0x66: {  	_ =	shalt  }
0x67: {  	_ =	shalt  }
0x68: {  	_ =	shalt  }
0x69: {  	_ =	shalt  }
0x6a: {  	_ =	shalt  }
0x6b: {  	_ =	shalt  }
0x6c: {  	_ =	shalt  }
0x6d: {  	_ =	shalt  }
0x6e: {  	_ =	shalt  }
0x6f: {  	_ =	shalt  }
0x70: {  	_ =	shalt  }
0x71: {  	_ =	shalt  }
0x72: {  	_ =	shalt  }
0x73: {  	_ =	shalt  }
0x74: {  	_ =	shalt  }
0x75: {  	_ =	shalt  }
0x76: {  	_ =	shalt  }
0x77: {  	_ =	shalt  }
0x78: {  	_ =	shalt  }
0x79: {  	_ =	shalt  }
0x7a: {  	_ =	shalt  }
0x7b: {  	_ =	shalt  }
0x7c: {  	_ =	shalt  }
0x7d: {  	_ =	shalt  }
0x7e: {  	_ =	shalt  }
0x7f: {  	_ =	shalt  }
0x80: {  	_ =	shalt  }
0x81: {  	_ =	shalt  }
0x82: {  	_ =	shalt  }
0x83: {  	_ =	shalt  }
0x84: {  	_ =	shalt  }
0x85: {  	_ =	shalt  }
0x86: {  	_ =	shalt  }
0x87: {  	_ =	shalt  }
.Lfunc_end0:
.L_simem_size_0:
called_computation_lowered:
.L_overlay_start_0:
0x88: {  	s2 =	sld [smem:$0x3FD9]  }
0x89: {  	s3 =	sld [smem:$0x3FFE];
	_ =	sdelay $0x1  }
0x8a: {  	s1 =	srdreg.scid  }
0x8b: {  	s0 =	sand.u32 $0x1, s1  }
0x8c: {  	s17 =	sshll.u32 s0, $0xA;
	s2 =	sadd.s32 s3, s2  }
0x8d: {  	s2 =	sadd.s32 s2, s17  }
0x8e: {  	[smem:$0x3FC5] =	sst s2  }
0x8f: {  	_ = 	snop  }
0x90: {  	s2 =	sld [smem:$0x3FC9]  }
0x91: {  	s18 =	sld [smem:$0x3FC7]  }
0x92: {  	s4 =	sld [smem:$0x3FD0];
	(tm) =	ssettm $0x1  }
0x93: {  	s5 =	sld [smem:$0x3FFB];
	_ =	sdelay $0x3  }
0x94: {  	_ =	strace s5  }
0x95: {  	s5 =	sld [smem:$0x3FFC];
	_ =	sdelay $0x3  }
0x96: {  	_ =	strace s5  }
0x97: {  	s5 =	sld [smem:$0x3FFD];
	_ =	sdelay $0x3  }
0x98: {  	_ =	strace s5  }
0x99: {  	_ =	strace $0x8FFFFFFF  }
0x9a: {  	s19 =	sld [smem:$0x3FDB];
	_ =	sdelay $0x1  }
0x9b: {  	s6 =	simm.s32 $_scs_section_size  }
0x9c: {  	s7 =	simm.s32 $_size__tile_overlayer_lowered;
	s8 =	simm.s32 $_tile_overlayer_lowered  }
0x9d: {  	s22 =	simm.s32 $0x1BFF;
	s21 =	sshll.u32 s8, $0x1;
	s5 =	sadd.s32 s6, s19  }
0x9e: {  	s9 =	simm.s32 $0x0;
	s20 =	sshll.u32 s7, $0x1;
	s7 =	sadd.s32 s21, s5  }
0x9f: {  	[timem:s9], [sflag:s22] =	dma.local [hbm:s7], s20  }
0xa0: {  	_ =	swait.ge [sflag:s22], s20  }
0xa1: {  	s6 =	ssub.s32 $0x0, s20;
	[sflag:s22] =	ssyncset.done $0x0  }
0xa2: {  	[sflag:s22] =	ssyncadd.s32 s6;
	_ =	sdelay $0x1  }
0xa3: {  	s23 =	simm.s32 $0x1B8B  }
0xa4: {  	_ =	swait.ge [sflag:s23], $0x1  }
0xa5: {  	[sflag:s23] =	ssyncset.done $0x0  }
0xa6: {  	s25 =	simm.s32 $0x1B8E;
	s24 =	sld [smem:$0x3FFE];
	[sflag:s23] =	ssyncadd.s32 $0xFFFFFFFF  }
0xa7: {  	s26 =	simm.s32 $execute0_lowered;
	[smem:$0x3FD2] =	sst s25  }
0xa8: {  	s7 =	sshll.u32 s26, $0x1;
	_ =	strace $0x80000046;
	[dreg:$0x1] =	wrdreg $0xFFFFFFFF  }
0xa9: {  	s28 =	simm.s32 $_size_execute0_lowered;
	s5 =	sadd.s32 s5, s7;
	[dreg:$0x0] =	wrdreg $0x0  }
0xaa: {  	s7 =	sshll.u32 s28, $0x1;
	[dreg:$0x2] =	wrdreg s5  }
0xab: {  	[dreg:$0x3] =	wrdreg s7  }
0xac: {  	[dreg:$0x4] =	wrdreg $0xC0  }
0xad: {  	_ =	task [dreg:s9], $0x5FFFF  }
0xae: {  	[dreg:$0x1] =	wrdreg $0xFFFFFFFF  }
0xaf: {  	[dreg:$0x0] =	wrdreg $0x60  }
0xb0: {  	[dreg:$0x2] =	wrdreg s2  }
0xb1: {  	[dreg:$0x3] =	wrdreg s24  }
0xb2: {  	[dreg:$0x4] =	wrdreg s18  }
0xb3: {  	[dreg:$0x5] =	wrdreg s4  }
0xb4: {  	[dreg:$0x6] =	wrdreg $0x9  }
0xb5: {  	_ =	task.clear_ibuf [dreg:s9], $0x7FFFF;
	_ =	strace $0x90000046  }
0xb6: {  	s29 =	simm.s32 $0x9;
	_ =	strace $0x80000048  }
0xb7: {  	_ =	swait.ge [sflag:s29], $0x1  }
0xb8: {  	[sflag:s29] =	ssyncadd.s32 $0xFFFFFFFF  }
0xb9: {  	_ =	strace $0x90000048  }
0xba: {  	_ =	sfence  }
0xbb: {  	s30 =	sld [smem:$0x0];
	_ =	sdelay $0x2  }
0xbc: {  	s31 =	sshll.u32 s1, $0xD;
	s1 =	sshrl.u32 s1, $0x2  }
0xbd: {  	s3 =	sand.u32 $0x4000, s31;
	s1 =	sadd.s32 s1, s30  }
0xbe: {  	s0 =	sor.u32 s3, s0;
	s1 =	sshll.u32 s1, $0x11  }
0xbf: {  	s0 =	sor.u32 s1, s0  }
0xc0: {  	s0 =	sadd.s32 $0x8F2B, s0  }
0xc1: {  	[sflag:s0] =	ssyncadd.remote.s32 $0x1  }
0xc2: {  	_ =	sfence.sel $0xFFFF  }
0xc3: {  	[dreg:$0x0] =	wrdreg $0xFFFFFFFF;
	(pc) =	sbr.abs _section_cstart, $3  }
0xc4: {  	[dreg:$0x1] =	wrdreg $0xFFFFFFFF  }
0xc5: {  	_ =	task.clear_ibuf [dreg:s9], $0x2FFFF;
	_ =	strace $0x9FFFFFFF  }
0xc6: {  	(tm) =	ssettm $0x7FFFFFFF  }
0xc7: {  	_ =	shalt  }
tec
execute0_lowered:
.L_overlay_start_1:
0x0: {  	(tag) =	ssettag $0x1  }
0x1: {  	s1 =	rddreg [dreg:$0x0]  }
0x2: {  	s4 =	rddreg [dreg:$0x1]  }
0x3: {  	s5 =	rddreg [dreg:$0x2]  }
0x4: {  	s6 =	rddreg [dreg:$0x3]  }
0x5: {  	s0 =	rddreg [dreg:$0x4];
	s3 =	simm.s32 $0x0  }
0x6: {  	s2 =	stileid.u32;
	s7 =	srdreg.scid;
	s12 =	simm.s32 $0x3  }
0x7: {  	s13 =	simm.s32 $0x3000;
	s14 =	simm.s32 $0x1;
	s15 =	simm.s32 $0x3800  }
0x8: {  	s17 =	simm.s32 $0x2;
	s18 =	simm.s32 $0x0;
	[smem:$0x7FF] =	sst s3  }
0x9: {  	s8 =	sshrl.u32 s2, $0x1;
	s7 =	sand.u32 $0x1, s7;
	s11 =	sshll.u32 s2, $0x1  }
0xa: {  	_ =	strace $0x80000047;
	s9 =	sshll.u32 s8, $0x8;
	s10 =	ssub.s32 $0x2, s7  }
0xb: {  	s11 =	sand.u32 $0x2, s11;
	s16 =	smul.u32 $0x30000, s8;
	s30 =	sshll.u32 s8, $0x4  }
0xc: {  	s8 =	sshll.u32 s8, $0xD;
	s9 =	sadd.s32 s9, s4;
	s28 =	sshrl.u32 s10, $0x1  }
0xd: {  	s29 =	sor.u32 s7, s11;
	s5 =	sadd.s32 s5, s30;
	s10 =	ssub.s32 s10, s28  }
0xe: {  	s11 =	sshll.u32 s29, $0xB;
	s4 =	sshll.u32 s29, $0xC;
	v0 =	vmov s16;
	s16 =	simm.s32 $0x5800  }
0xf: {  	s31 =	sor.u32 s8, s11;
	s4 =	sadd.s32 s4, s5;
	s5 =	sadd.s32 $0x400, s9  }
0x10: {  	s8 =	smax.u32 s10, $0x1;
	s9 =	simm.s32 $0x80;
	s6 =	sadd.s32 s6, s31  }
0x11: {  	v1 =	vimm.f32 $1.000000000e+00;
	s10 =	simm.s32 $0x400;
	s11 =	simm.s32 $0x1000;
	s7 =	sadd.s32 $0x400, s6  }
.LBB2_1:
0x12: {  	[tilespmem:s11], [sflag:$0x3] =	stream.strided.gather [hbm4b:s4+s9], $0x1000, s10, s9, $0x38;
	[tilespmem:$0x7800] =	vst v63  }
0x13: {  	_ =	swait.ge [sflag:s12], $0x1000  }
0x14: {  	[sflag:s12] =	ssyncset.done $0x0  }
0x15: {  	s19 =	simm.s32 $0x0;
	[sflag:s12] =	ssyncadd.s32 $0xFFFFF000  }
0x16: {  	v2 =	vld [tilespmem:s19+$0x1000];
	_ =	sdelay $0x1  }
0x17: {  	v3 =	vld [tilespmem:s19+$0x1010]  }
0x18: {  	v9 =	vld [tilespmem:s19+$0x1030];
	_ =	sdelay $0x1  }
0x19: {  	v4 =	vand.u32 $0xFFFFF000, v2  }
0x1a: {  	v5 =	vshll.u32 v2, $0x3;
	v6 =	vand.u32 $0x7F, v2;
	v4 =	vadd.s32 v0, v4  }
0x1b: {  	v2 =	vshrl.u32 v2, $0x2;
	v7 =	vshll.u32 v3, $0x3;
	v4 =	vor.u32 v6, v4;
	v6 =	vld [tilespmem:s19+$0x1020]  }
0x1c: {  	v8 =	vand.u32 $0x7F, v3;
	v12 =	vand.u32 $0x7F, v9;
	v5 =	vand.u32 $0xC00, v5  }
0x1d: {  	v2 =	vand.u32 $0x380, v2;
	v4 =	vor.u32 v5, v4;
	v5 =	vand.u32 $0xFFFFF000, v3  }
0x1e: {  	v7 =	vand.u32 $0xC00, v7;
	v3 =	vshrl.u32 v3, $0x2;
	v5 =	vadd.s32 v0, v5  }
0x1f: {  	v2 =	vor.u32 v2, v4;
	v3 =	vand.u32 $0x380, v3;
	v5 =	vor.u32 v8, v5  }
0x20: {  	v4 =	vor.u32 v7, v5;
	v5 =	vand.u32 $0xFFFFF000, v6;
	v7 =	vshll.u32 v6, $0x3  }
0x21: {  	v11 =	vld [tilespmem:s19+$0x1040];
	v8 =	vshrl.u32 v6, $0x2;
	v6 =	vand.u32 $0x7F, v6;
	v5 =	vadd.s32 v0, v5  }
0x22: {  	v8 =	vand.u32 $0x380, v8;
	v5 =	vor.u32 v6, v5;
	v6 =	vand.u32 $0xFFFFF000, v9  }
0x23: {  	v10 =	vand.u32 $0xC00, v7;
	v7 =	vshll.u32 v9, $0x3;
	v6 =	vadd.s32 v0, v6  }
0x24: {  	v13 =	vand.u32 $0xC00, v7;
	v9 =	vshrl.u32 v9, $0x2;
	v7 =	vld [tilespmem:s19+$0x1050];
	v6 =	vor.u32 v12, v6  }
0x25: {  	v10 =	vor.u32 v10, v5;
	v9 =	vand.u32 $0x380, v9;
	v6 =	vor.u32 v13, v6  }
0x26: {  	v5 =	vor.u32 v3, v4;
	v3 =	vor.u32 v9, v6;
	v6 =	vand.u32 $0xFFFFF000, v11  }
0x27: {  	v4 =	vor.u32 v8, v10;
	v10 =	vand.u32 $0x7F, v11;
	v6 =	vadd.s32 v0, v6  }
0x28: {  	v8 =	vshrl.u32 v11, $0x2;
	v9 =	vshll.u32 v11, $0x3;
	v10 =	vor.u32 v10, v6;
	v6 =	vld [tilespmem:s19+$0x1060]  }
0x29: {  	v8 =	vand.u32 $0x380, v8;
	v9 =	vand.u32 $0xC00, v9;
	v13 =	vand.u32 $0xFFFFF000, v7  }
0x2a: {  	s20 =	simm.s32 $0x200;
	v12 =	vshll.u32 v7, $0x3;
	v11 =	vand.u32 $0x7F, v7;
	v13 =	vadd.s32 v0, v13  }
.LBB2_2:
0x2b: {  	p0 =	sne.s32 s20, $0x3E00;
	v12 =	vand.u32 $0xC00, v12;
	v7 =	vshrl.u32 v7, $0x2;
	v11 =	vor.u32 v11, v13;
	v13 =	vld [tilespmem:s19+$0x1070]  }
0x2c: {  	v9 =	vor.u32 v9, v10;
	v7 =	vand.u32 $0x380, v7;
	v10 =	vor.u32 v12, v11  }
0x2d: {  	v8 =	vor.u32 v8, v9;
	v7 =	vor.u32 v7, v10;
	v9 =	vand.u32 $0xFFFFF000, v6  }
0x2e: {  	v10 =	vand.u32 $0x7F, v6;
	[tilespmem:s19+$0x0] =	vst v2;
	v2 =	vshll.u32 v6, $0x3;
	v9 =	vadd.s32 v0, v9  }
0x2f: {  	[tilespmem:s19+$0x10] =	vst v5;
	v2 =	vand.u32 $0xC00, v2;
	v5 =	vshrl.u32 v6, $0x2;
	v6 =	vor.u32 v10, v9  }
0x30: {  	[tilespmem:s19+$0x20] =	vst v4;
	v4 =	vand.u32 $0x380, v5;
	v2 =	vor.u32 v2, v6;
	v5 =	vand.u32 $0xFFFFF000, v13  }
0x31: {  	v6 =	vand.u32 $0x7F, v13;
	[tilespmem:s19+$0x30] =	vst v3;
	v3 =	vshll.u32 v13, $0x3;
	v5 =	vadd.s32 v0, v5  }
0x32: {  	[tilespmem:s19+$0x40] =	vst v8;
	v3 =	vand.u32 $0xC00, v3;
	v8 =	vshrl.u32 v13, $0x2;
	v5 =	vor.u32 v6, v5  }
0x33: {  	v2 =	vor.u32 v4, v2;
	[tilespmem:s19+$0x50] =	vst v7;
	v4 =	vand.u32 $0x380, v8;
	v3 =	vor.u32 v3, v5  }
0x34: {  	s21 =	sshra.s32 s20, $0x2;
	s22 =	sadd.s32 $0x2000, s19;
	[tilespmem:s19+$0x60] =	vst v2;
	v2 =	vor.u32 v4, v3  }
0x35: {  	[tilespmem:s19+$0x70] =	vst v2;
	[tilespmem:s22], [sflag:$0x1] =	stream.indirect.gather [hbm4b:s1+s9], $0x1, s19, s9, $0xb8  }
0x36: {  	s19 =	smov.u32 s21;
	v2 =	vld [tilespmem:s21+$0x1000];
	_ =	sdelay $0x2  }
0x37: {  	v3 =	vld [tilespmem:s19+$0x1010];
	_ =	sdelay $0x1  }
0x38: {  	v4 =	vand.u32 $0xFFFFF000, v2  }
0x39: {  	v5 =	vshll.u32 v2, $0x3;
	v6 =	vand.u32 $0x7F, v2;
	v4 =	vadd.s32 v0, v4  }
0x3a: {  	v2 =	vshrl.u32 v2, $0x2;
	v5 =	vand.u32 $0xC00, v5;
	v4 =	vor.u32 v6, v4;
	v6 =	vld [tilespmem:s19+$0x1020]  }
0x3b: {  	v2 =	vand.u32 $0x380, v2;
	v4 =	vor.u32 v5, v4;
	v5 =	vand.u32 $0xFFFFF000, v3  }
0x3c: {  	v7 =	vshll.u32 v3, $0x3;
	v8 =	vand.u32 $0x7F, v3;
	v5 =	vadd.s32 v0, v5;
	v9 =	vld [tilespmem:s19+$0x1030]  }
0x3d: {  	v3 =	vshrl.u32 v3, $0x2;
	v7 =	vand.u32 $0xC00, v7;
	v5 =	vor.u32 v8, v5  }
0x3e: {  	v2 =	vor.u32 v2, v4;
	v3 =	vand.u32 $0x380, v3;
	v4 =	vor.u32 v7, v5  }
0x3f: {  	v5 =	vand.u32 $0xFFFFF000, v6;
	v7 =	vshll.u32 v6, $0x3;
	v8 =	vshrl.u32 v6, $0x2  }
0x40: {  	v6 =	vand.u32 $0x7F, v6;
	v8 =	vand.u32 $0x380, v8;
	v5 =	vadd.s32 v0, v5  }
0x41: {  	v10 =	vand.u32 $0xC00, v7;
	v5 =	vor.u32 v6, v5;
	v6 =	vand.u32 $0xFFFFF000, v9;
	v11 =	vld [tilespmem:s19+$0x1040]  }
0x42: {  	v7 =	vshll.u32 v9, $0x3;
	v12 =	vand.u32 $0x7F, v9;
	v6 =	vadd.s32 v0, v6  }
0x43: {  	v9 =	vshrl.u32 v9, $0x2;
	v13 =	vand.u32 $0xC00, v7;
	v6 =	vor.u32 v12, v6;
	v7 =	vld [tilespmem:s19+$0x1050]  }
0x44: {  	v10 =	vor.u32 v10, v5;
	v9 =	vand.u32 $0x380, v9;
	v6 =	vor.u32 v13, v6  }
.Ltmp0:
0x45: {  	v5 =	vor.u32 v3, v4;
	v4 =	vor.u32 v8, v10;
	v3 =	vor.u32 v9, v6;
	(pc) =	sbr.rel @p0 .LBB2_2-.Ltmp0, $4  }
0x46: {  	v6 =	vand.u32 $0xFFFFF000, v11;
	v9 =	vshll.u32 v11, $0x3;
	v8 =	vshrl.u32 v11, $0x2  }
0x47: {  	v10 =	vand.u32 $0x7F, v11;
	v8 =	vand.u32 $0x380, v8;
	v11 =	vadd.s32 v0, v6;
	v6 =	vld [tilespmem:s19+$0x1060]  }
0x48: {  	v9 =	vand.u32 $0xC00, v9;
	v10 =	vor.u32 v10, v11;
	v13 =	vand.u32 $0xFFFFF000, v7  }
0x49: {  	s20 =	sadd.s32 $0x200, s20;
	v12 =	vshll.u32 v7, $0x3;
	v11 =	vand.u32 $0x7F, v7;
	v13 =	vadd.s32 v0, v13  }
0x4a: {  	v12 =	vand.u32 $0xC00, v12;
	v7 =	vshrl.u32 v7, $0x2;
	v11 =	vor.u32 v11, v13;
	v52 =	vld [tilespmem:s19+$0x1070]  }
0x4b: {  	v9 =	vor.u32 v9, v10;
	v7 =	vand.u32 $0x380, v7;
	v10 =	vor.u32 v12, v11  }
0x4c: {  	v8 =	vor.u32 v8, v9;
	v7 =	vor.u32 v7, v10;
	v9 =	vand.u32 $0xFFFFF000, v6  }
0x4d: {  	[tilespmem:s19+$0x0] =	vst v2;
	v2 =	vshll.u32 v6, $0x3;
	v10 =	vand.u32 $0x7F, v6;
	v9 =	vadd.s32 v0, v9  }
0x4e: {  	[tilespmem:s19+$0x10] =	vst v5;
	v5 =	vshrl.u32 v6, $0x2;
	v2 =	vand.u32 $0xC00, v2;
	v6 =	vor.u32 v10, v9  }
0x4f: {  	[tilespmem:s19+$0x20] =	vst v4;
	v4 =	vand.u32 $0x380, v5;
	v2 =	vor.u32 v2, v6;
	v5 =	vand.u32 $0xFFFFF000, v52  }
0x50: {  	[tilespmem:s19+$0x30] =	vst v3;
	v3 =	vshll.u32 v52, $0x3;
	v6 =	vand.u32 $0x7F, v52;
	v5 =	vadd.s32 v0, v5  }
0x51: {  	[tilespmem:s19+$0x40] =	vst v8;
	v8 =	vshrl.u32 v52, $0x2;
	v3 =	vand.u32 $0xC00, v3;
	v5 =	vor.u32 v6, v5  }
0x52: {  	[tilespmem:s19+$0x50] =	vst v7;
	v2 =	vor.u32 v4, v2;
	v4 =	vand.u32 $0x380, v8;
	v3 =	vor.u32 v3, v5  }
0x53: {  	[tilespmem:s19+$0x60] =	vst v2;
	v2 =	vor.u32 v4, v3  }
0x54: {  	s20 =	sadd.s32 $0x2000, s19;
	[tilespmem:s19+$0x70] =	vst v2  }
0x55: {  	[tilespmem:s20], [sflag:$0x1] =	stream.indirect.gather [hbm4b:s1+s9], $0x1, s19, s9, $0xb8;
	[tilespmem:$0x7800] =	vst v63  }
0x56: {  	s31 =	simm.s32 $0x0  }
0x57: {  	[tilespmem:s13], [sflag:$0x3] =	stream.linear.gather [hbm4b:s5+s31], $0x480, $0x38;
	[tilespmem:$0x7800] =	vst v63  }
0x58: {  	_ =	swait.ge [sflag:s12], $0x480  }
0x59: {  	[sflag:s12] =	ssyncset.done $0x0  }
0x5a: {  	[sflag:s12] =	ssyncadd.s32 $0xFFFFFB80  }
0x5b: {  	v5 =	vld [tilespmem:$0x3000]  }
0x5c: {  	v6 =	vld [tilespmem:$0x3080]  }
0x5d: {  	v2 =	vld [tilespmem:$0x3100]  }
0x5e: {  	v7 =	vld [tilespmem:$0x3180]  }
0x5f: {  	v8 =	vld [tilespmem:$0x3200]  }
0x60: {  	v3 =	vld [tilespmem:$0x3280]  }
0x61: {  	v9 =	vld [tilespmem:$0x3300]  }
0x62: {  	v10 =	vld [tilespmem:$0x3380]  }
0x63: {  	v4 =	vld [tilespmem:$0x3400];
	_ =	swait.ge [sflag:s14], $0x1000  }
0x64: {  	[sflag:s14] =	ssyncset.done $0x0  }
0x65: {  	s20 =	simm.s32 $0x0;
	[sflag:s14] =	ssyncadd.s32 $0xFFFFF000  }
0x66: {  	v11 =	vld [tilespmem:s20+$0x1000];
	_ =	sdelay $0x4  }
0x67: {  	v53 =	vand.u32 $0x1FF, v11;
	v11 =	vshra.s32 v11, $0x9  }
0x68: {  	v12 =	vcvt.s32.f32 v53;
	v11 =	vcvt.s32.f32 v11;
	_ =	sdelay $0x1  }
0x69: {  	v54 =	vmul.f32 v12, v7;
	v14 =	vmul.f32 v11, v8  }
0x6a: {  	v16 =	vld [tilespmem:s20+$0x2000];
	v15 =	vmul.f32 v12, v5;
	v17 =	vmul.f32 v11, v6  }
0x6b: {  	v11 =	vmul.f32 v11, v10;
	v12 =	vmul.f32 v12, v9;
	v13 =	vadd.f32 v14, v54  }
0x6c: {  	v55 =	vadd.f32 v17, v15  }
0x6d: {  	v11 =	vadd.f32 v11, v12;
	v56 =	vadd.f32 v13, v3  }
0x6e: {  	v57 =	vadd.f32 v55, v2  }
0x6f: {  	s19 =	simm.s32 $0x3900;
	v11 =	vadd.f32 v11, v4;
	v12 =	vmul.f32 v56, v16  }
0x70: {  	[tilespmem:s19+$0x80] =	vst v1;
	v13 =	vmul.f32 v57, v16  }
0x71: {  	v11 =	vmul.f32 v11, v16;
	[tilespmem:s19+$0xFFFFFF80] =	vst v12  }
0x72: {  	[tilespmem:s19+$0xFFFFFF00] =	vst v13  }
0x73: {  	[tilespmem:s19+$0x0] =	vst v11  }
0x74: {  	v11 =	vld [tilespmem:s20+$0x1010];
	_ =	sdelay $0x4  }
0x75: {  	v58 =	vand.u32 $0x1FF, v11;
	v11 =	vshra.s32 v11, $0x9  }
0x76: {  	v12 =	vcvt.s32.f32 v58;
	v11 =	vcvt.s32.f32 v11;
	_ =	sdelay $0x1  }
0x77: {  	v59 =	vmul.f32 v12, v7;
	v60 =	vmul.f32 v11, v8  }
0x78: {  	v63 =	vld [tilespmem:s20+$0x2010];
	v61 =	vmul.f32 v12, v5;
	v62 =	vmul.f32 v11, v6  }
0x79: {  	v11 =	vmul.f32 v11, v10;
	v12 =	vmul.f32 v12, v9;
	v13 =	vadd.f32 v60, v59  }
0x7a: {  	v20 =	vadd.f32 v62, v61  }
0x7b: {  	v11 =	vadd.f32 v11, v12;
	v13 =	vadd.f32 v13, v3  }
0x7c: {  	v21 =	vadd.f32 v20, v2  }
0x7d: {  	v11 =	vadd.f32 v11, v4;
	v13 =	vmul.f32 v13, v63  }
0x7e: {  	[tilespmem:s19+$0x90] =	vst v1;
	v12 =	vmul.f32 v21, v63  }
0x7f: {  	v11 =	vmul.f32 v11, v63;
	[tilespmem:s19+$0xFFFFFF90] =	vst v13  }
0x80: {  	[tilespmem:s19+$0xFFFFFF10] =	vst v12  }
0x81: {  	[tilespmem:s19+$0x10] =	vst v11  }
0x82: {  	v11 =	vld [tilespmem:s20+$0x1020];
	_ =	sdelay $0x4  }
0x83: {  	v22 =	vand.u32 $0x1FF, v11;
	v11 =	vshra.s32 v11, $0x9  }
0x84: {  	v12 =	vcvt.s32.f32 v22;
	v11 =	vcvt.s32.f32 v11;
	_ =	sdelay $0x1  }
0x85: {  	v23 =	vmul.f32 v12, v9;
	v24 =	vmul.f32 v11, v10  }
0x86: {  	v25 =	vld [tilespmem:s20+$0x2020];
	v26 =	vmul.f32 v12, v5;
	v27 =	vmul.f32 v11, v6  }
0x87: {  	v12 =	vmul.f32 v12, v7;
	v11 =	vmul.f32 v11, v8;
	v13 =	vadd.f32 v24, v23  }
0x88: {  	v28 =	vadd.f32 v27, v26  }
0x89: {  	v11 =	vadd.f32 v11, v12;
	v29 =	vadd.f32 v13, v4  }
0x8a: {  	v30 =	vadd.f32 v28, v2  }
0x8b: {  	v11 =	vadd.f32 v11, v3;
	v12 =	vmul.f32 v29, v25  }
0x8c: {  	[tilespmem:s19+$0xA0] =	vst v1;
	v13 =	vmul.f32 v30, v25  }
0x8d: {  	v11 =	vmul.f32 v11, v25;
	[tilespmem:s19+$0x20] =	vst v12  }
0x8e: {  	[tilespmem:s19+$0xFFFFFF20] =	vst v13  }
0x8f: {  	[tilespmem:s19+$0xFFFFFFA0] =	vst v11  }
0x90: {  	v11 =	vld [tilespmem:s20+$0x1030];
	_ =	sdelay $0x4  }
0x91: {  	v31 =	vand.u32 $0x1FF, v11;
	v11 =	vshra.s32 v11, $0x9  }
0x92: {  	v12 =	vcvt.s32.f32 v31;
	v11 =	vcvt.s32.f32 v11;
	_ =	sdelay $0x1  }
0x93: {  	v32 =	vmul.f32 v12, v5;
	v33 =	vmul.f32 v11, v6  }
0x94: {  	v36 =	vld [tilespmem:s20+$0x2030];
	v34 =	vmul.f32 v11, v8;
	v35 =	vmul.f32 v12, v7  }
0x95: {  	v12 =	vmul.f32 v12, v9;
	v11 =	vmul.f32 v11, v10;
	v13 =	vadd.f32 v33, v32  }
0x96: {  	v37 =	vadd.f32 v34, v35  }
0x97: {  	v11 =	vadd.f32 v11, v12;
	v38 =	vadd.f32 v13, v2  }
0x98: {  	v39 =	vadd.f32 v37, v3  }
0x99: {  	v11 =	vadd.f32 v11, v4;
	v12 =	vmul.f32 v38, v36  }
0x9a: {  	[tilespmem:s19+$0xB0] =	vst v1;
	v13 =	vmul.f32 v39, v36  }
0x9b: {  	v11 =	vmul.f32 v11, v36;
	[tilespmem:s19+$0xFFFFFF30] =	vst v12  }
0x9c: {  	[tilespmem:s19+$0xFFFFFFB0] =	vst v13  }
0x9d: {  	[tilespmem:s19+$0x30] =	vst v11  }
0x9e: {  	v11 =	vld [tilespmem:s20+$0x1040];
	_ =	sdelay $0x4  }
0x9f: {  	v40 =	vand.u32 $0x1FF, v11;
	v11 =	vshra.s32 v11, $0x9  }
0xa0: {  	v12 =	vcvt.s32.f32 v40;
	v11 =	vcvt.s32.f32 v11;
	_ =	sdelay $0x1  }
0xa1: {  	v41 =	vmul.f32 v12, v5;
	v42 =	vmul.f32 v11, v6  }
0xa2: {  	v43 =	vld [tilespmem:s20+$0x2040];
	v44 =	vmul.f32 v12, v7;
	v45 =	vmul.f32 v11, v8  }
0xa3: {  	v12 =	vmul.f32 v12, v9;
	v11 =	vmul.f32 v11, v10;
	v13 =	vadd.f32 v42, v41  }
0xa4: {  	v46 =	vadd.f32 v45, v44  }
0xa5: {  	v11 =	vadd.f32 v11, v12;
	v13 =	vadd.f32 v13, v2  }
0xa6: {  	v47 =	vadd.f32 v46, v3  }
0xa7: {  	v11 =	vadd.f32 v11, v4;
	v13 =	vmul.f32 v13, v43  }
0xa8: {  	[tilespmem:s19+$0xC0] =	vst v1;
	v12 =	vmul.f32 v47, v43  }
0xa9: {  	v11 =	vmul.f32 v11, v43;
	[tilespmem:s19+$0xFFFFFF40] =	vst v13  }
0xaa: {  	[tilespmem:s19+$0xFFFFFFC0] =	vst v12  }
0xab: {  	[tilespmem:s19+$0x40] =	vst v11  }
0xac: {  	v11 =	vld [tilespmem:s20+$0x1050];
	_ =	sdelay $0x4  }
0xad: {  	v48 =	vand.u32 $0x1FF, v11;
	v11 =	vshra.s32 v11, $0x9  }
0xae: {  	v12 =	vcvt.s32.f32 v48;
	v11 =	vcvt.s32.f32 v11;
	_ =	sdelay $0x1  }
0xaf: {  	v49 =	vmul.f32 v12, v5;
	v50 =	vmul.f32 v11, v6  }
0xb0: {  	v51 =	vld [tilespmem:s20+$0x2050];
	v52 =	vmul.f32 v12, v7;
	v53 =	vmul.f32 v11, v8  }
0xb1: {  	v12 =	vmul.f32 v12, v9;
	v11 =	vmul.f32 v11, v10;
	v13 =	vadd.f32 v50, v49  }
0xb2: {  	v54 =	vadd.f32 v53, v52  }
0xb3: {  	v11 =	vadd.f32 v11, v12;
	v13 =	vadd.f32 v13, v2  }
0xb4: {  	v55 =	vadd.f32 v54, v3  }
0xb5: {  	v11 =	vadd.f32 v11, v4;
	v13 =	vmul.f32 v13, v51  }
0xb6: {  	[tilespmem:s19+$0xD0] =	vst v1;
	v12 =	vmul.f32 v55, v51  }
0xb7: {  	v11 =	vmul.f32 v11, v51;
	[tilespmem:s19+$0xFFFFFF50] =	vst v13  }
0xb8: {  	[tilespmem:s19+$0xFFFFFFD0] =	vst v12  }
0xb9: {  	[tilespmem:s19+$0x50] =	vst v11  }
0xba: {  	v11 =	vld [tilespmem:s20+$0x1060];
	_ =	sdelay $0x4  }
0xbb: {  	v56 =	vand.u32 $0x1FF, v11;
	v11 =	vshra.s32 v11, $0x9  }
0xbc: {  	v12 =	vcvt.s32.f32 v56;
	v11 =	vcvt.s32.f32 v11;
	_ =	sdelay $0x1  }
0xbd: {  	v57 =	vmul.f32 v12, v9;
	v58 =	vmul.f32 v11, v10  }
0xbe: {  	v59 =	vld [tilespmem:s20+$0x2060];
	v60 =	vmul.f32 v12, v5;
	v61 =	vmul.f32 v11, v6  }
0xbf: {  	v13 =	vadd.f32 v58, v57  }
0xc0: {  	v12 =	vmul.f32 v12, v7;
	v11 =	vmul.f32 v11, v8;
	v62 =	vadd.f32 v61, v60  }
0xc1: {  	v13 =	vadd.f32 v13, v4  }
0xc2: {  	v11 =	vadd.f32 v11, v12;
	v63 =	vadd.f32 v62, v2  }
0xc3: {  	v13 =	vmul.f32 v13, v59  }
0xc4: {  	[tilespmem:s19+$0xE0] =	vst v1;
	v11 =	vadd.f32 v11, v3;
	v12 =	vmul.f32 v63, v59  }
0xc5: {  	[tilespmem:s19+$0x60] =	vst v13  }
0xc6: {  	s21 =	simm.s32 $0x200;
	s22 =	simm.s32 $0x3900;
	v11 =	vmul.f32 v11, v59;
	[tilespmem:s19+$0xFFFFFF60] =	vst v12  }
.LBB2_4:
0xc7: {  	p0 =	sne.s32 s21, $0x1E00  }
0xc8: {  	[tilespmem:s19+$0xFFFFFFE0] =	vst v11;
	s22 =	sadd.s32 $0x200, s22;
	s23 =	smov.u32 s21;
	s21 =	sadd.s32 $0x200, s21  }
0xc9: {  	v11 =	vld [tilespmem:s20+$0x1070]  }
0xca: {  	v12 =	vld [tilespmem:s20+$0x2070]  }
0xcb: {  	[tilespmem:s19+$0xF0] =	vst v1;
	_ =	sdelay $0x2  }
0xcc: {  	v13 =	vand.u32 $0x1FF, v11;
	v11 =	vshra.s32 v11, $0x9  }
0xcd: {  	v13 =	vcvt.s32.f32 v13;
	v11 =	vcvt.s32.f32 v11;
	_ =	sdelay $0x1  }
0xce: {  	v14 =	vmul.f32 v13, v5;
	v15 =	vmul.f32 v11, v6  }
0xcf: {  	v16 =	vmul.f32 v13, v7;
	v17 =	vmul.f32 v11, v8  }
0xd0: {  	v13 =	vmul.f32 v13, v9;
	v11 =	vmul.f32 v11, v10;
	v14 =	vadd.f32 v15, v14  }
0xd1: {  	v15 =	vadd.f32 v17, v16  }
0xd2: {  	v11 =	vadd.f32 v11, v13;
	v14 =	vadd.f32 v14, v2  }
0xd3: {  	v13 =	vadd.f32 v15, v3  }
0xd4: {  	v11 =	vadd.f32 v11, v4;
	v14 =	vmul.f32 v14, v12  }
0xd5: {  	v13 =	vmul.f32 v13, v12  }
0xd6: {  	v11 =	vmul.f32 v11, v12;
	[tilespmem:s19+$0xFFFFFF70] =	vst v14  }
0xd7: {  	[tilespmem:s19+$0xFFFFFFF0] =	vst v13  }
0xd8: {  	s20 =	sshra.s32 s23, $0x2;
	[tilespmem:s19+$0x70] =	vst v11;
	s19 =	smov.u32 s22  }
0xd9: {  	v11 =	vld [tilespmem:s20+$0x1000];
	_ =	sdelay $0x4  }
0xda: {  	v12 =	vand.u32 $0x1FF, v11;
	v11 =	vshra.s32 v11, $0x9  }
0xdb: {  	v12 =	vcvt.s32.f32 v12;
	v11 =	vcvt.s32.f32 v11;
	_ =	sdelay $0x1  }
0xdc: {  	v13 =	vmul.f32 v12, v5;
	v14 =	vmul.f32 v11, v10  }
0xdd: {  	v15 =	vmul.f32 v12, v7;
	v16 =	vmul.f32 v11, v8  }
0xde: {  	v11 =	vmul.f32 v11, v6;
	v12 =	vmul.f32 v12, v9;
	v17 =	vld [tilespmem:s20+$0x2000]  }
0xdf: {  	v15 =	vadd.f32 v16, v15;
	[tilespmem:s22+$0x80] =	vst v1  }
0xe0: {  	v11 =	vadd.f32 v11, v13;
	v12 =	vadd.f32 v14, v12  }
0xe1: {  	v13 =	vadd.f32 v15, v3  }
0xe2: {  	v11 =	vadd.f32 v11, v2;
	v12 =	vadd.f32 v12, v4  }
0xe3: {  	v13 =	vmul.f32 v13, v17  }
0xe4: {  	v11 =	vmul.f32 v11, v17;
	v12 =	vmul.f32 v12, v17  }
0xe5: {  	[tilespmem:s22+$0xFFFFFF80] =	vst v13  }
0xe6: {  	[tilespmem:s22+$0xFFFFFF00] =	vst v11  }
0xe7: {  	[tilespmem:s22+$0x0] =	vst v12  }
0xe8: {  	v11 =	vld [tilespmem:s20+$0x1010];
	_ =	sdelay $0x4  }
0xe9: {  	v12 =	vand.u32 $0x1FF, v11;
	v11 =	vshra.s32 v11, $0x9  }
0xea: {  	v12 =	vcvt.s32.f32 v12;
	v11 =	vcvt.s32.f32 v11;
	_ =	sdelay $0x1  }
0xeb: {  	v13 =	vmul.f32 v12, v5;
	v14 =	vmul.f32 v12, v7  }
0xec: {  	v15 =	vmul.f32 v11, v6;
	v16 =	vmul.f32 v11, v8  }
0xed: {  	v11 =	vmul.f32 v11, v10;
	v17 =	vld [tilespmem:s20+$0x2010]  }
0xee: {  	v12 =	vmul.f32 v12, v9;
	v13 =	vadd.f32 v15, v13;
	v14 =	vadd.f32 v16, v14;
	_ =	sdelay $0x1  }
0xef: {  	v11 =	vadd.f32 v11, v12;
	v14 =	vadd.f32 v14, v3  }
0xf0: {  	v12 =	vadd.f32 v13, v2  }
0xf1: {  	v11 =	vadd.f32 v11, v4;
	v13 =	vmul.f32 v14, v17  }
0xf2: {  	v12 =	vmul.f32 v12, v17;
	[tilespmem:s22+$0x90] =	vst v1  }
0xf3: {  	v11 =	vmul.f32 v11, v17;
	[tilespmem:s22+$0xFFFFFF90] =	vst v13  }
0xf4: {  	[tilespmem:s22+$0xFFFFFF10] =	vst v12  }
0xf5: {  	[tilespmem:s22+$0x10] =	vst v11  }
0xf6: {  	v11 =	vld [tilespmem:s20+$0x1020];
	_ =	sdelay $0x4  }
0xf7: {  	v12 =	vand.u32 $0x1FF, v11;
	v11 =	vshra.s32 v11, $0x9  }
0xf8: {  	v12 =	vcvt.s32.f32 v12;
	v11 =	vcvt.s32.f32 v11;
	_ =	sdelay $0x1  }
0xf9: {  	v13 =	vmul.f32 v12, v9;
	v14 =	vmul.f32 v11, v10  }
0xfa: {  	v16 =	vmul.f32 v12, v5;
	v17 =	vmul.f32 v11, v6;
	v15 =	vld [tilespmem:s20+$0x2020]  }
0xfb: {  	v12 =	vmul.f32 v12, v7;
	v11 =	vmul.f32 v11, v8;
	v13 =	vadd.f32 v14, v13  }
0xfc: {  	v14 =	vadd.f32 v17, v16  }
0xfd: {  	v11 =	vadd.f32 v11, v12;
	v12 =	vadd.f32 v13, v4  }
0xfe: {  	v13 =	vadd.f32 v14, v2  }
0xff: {  	v11 =	vadd.f32 v11, v3;
	v12 =	vmul.f32 v12, v15  }
0x100: {  	v13 =	vmul.f32 v13, v15;
	[tilespmem:s22+$0xA0] =	vst v1  }
0x101: {  	v11 =	vmul.f32 v11, v15;
	[tilespmem:s22+$0x20] =	vst v12  }
0x102: {  	[tilespmem:s22+$0xFFFFFF20] =	vst v13  }
0x103: {  	[tilespmem:s22+$0xFFFFFFA0] =	vst v11  }
0x104: {  	v11 =	vld [tilespmem:s20+$0x1030];
	_ =	sdelay $0x4  }
0x105: {  	v12 =	vand.u32 $0x1FF, v11;
	v11 =	vshra.s32 v11, $0x9  }
0x106: {  	v12 =	vcvt.s32.f32 v12;
	v11 =	vcvt.s32.f32 v11;
	_ =	sdelay $0x1  }
0x107: {  	v13 =	vmul.f32 v12, v5;
	v14 =	vmul.f32 v11, v8  }
0x108: {  	v15 =	vmul.f32 v11, v6;
	v16 =	vmul.f32 v12, v7  }
0x109: {  	v12 =	vmul.f32 v12, v9;
	v11 =	vmul.f32 v11, v10;
	v17 =	vld [tilespmem:s20+$0x2030]  }
0x10a: {  	v13 =	vadd.f32 v15, v13;
	v14 =	vadd.f32 v14, v16  }
0x10b: {  	v11 =	vadd.f32 v11, v12  }
0x10c: {  	v12 =	vadd.f32 v13, v2;
	v13 =	vadd.f32 v14, v3  }
0x10d: {  	v11 =	vadd.f32 v11, v4  }
0x10e: {  	v12 =	vmul.f32 v12, v17;
	v13 =	vmul.f32 v13, v17  }
0x10f: {  	v11 =	vmul.f32 v11, v17;
	[tilespmem:s22+$0xB0] =	vst v1  }
0x110: {  	[tilespmem:s22+$0xFFFFFF30] =	vst v12  }
0x111: {  	[tilespmem:s22+$0xFFFFFFB0] =	vst v13  }
0x112: {  	[tilespmem:s22+$0x30] =	vst v11  }
0x113: {  	v11 =	vld [tilespmem:s20+$0x1040];
	_ =	sdelay $0x4  }
0x114: {  	v12 =	vand.u32 $0x1FF, v11;
	v11 =	vshra.s32 v11, $0x9  }
0x115: {  	v12 =	vcvt.s32.f32 v12;
	v11 =	vcvt.s32.f32 v11;
	_ =	sdelay $0x1  }
0x116: {  	v13 =	vmul.f32 v12, v5;
	v14 =	vmul.f32 v11, v6  }
0x117: {  	v16 =	vmul.f32 v12, v7;
	v17 =	vmul.f32 v11, v8;
	v15 =	vld [tilespmem:s20+$0x2040]  }
0x118: {  	v12 =	vmul.f32 v12, v9;
	v11 =	vmul.f32 v11, v10;
	v13 =	vadd.f32 v14, v13;
	[tilespmem:s22+$0xC0] =	vst v1  }
0x119: {  	v14 =	vadd.f32 v17, v16  }
0x11a: {  	v11 =	vadd.f32 v11, v12;
	v13 =	vadd.f32 v13, v2  }
0x11b: {  	v12 =	vadd.f32 v14, v3  }
0x11c: {  	v11 =	vadd.f32 v11, v4;
	v13 =	vmul.f32 v13, v15  }
0x11d: {  	v12 =	vmul.f32 v12, v15  }
0x11e: {  	v11 =	vmul.f32 v11, v15;
	[tilespmem:s22+$0xFFFFFF40] =	vst v13  }
0x11f: {  	[tilespmem:s22+$0xFFFFFFC0] =	vst v12  }
0x120: {  	[tilespmem:s22+$0x40] =	vst v11  }
0x121: {  	v11 =	vld [tilespmem:s20+$0x1050]  }
0x122: {  	v12 =	vld [tilespmem:s20+$0x2050]  }
0x123: {  	[tilespmem:s22+$0xD0] =	vst v1;
	_ =	sdelay $0x2  }
0x124: {  	v13 =	vand.u32 $0x1FF, v11;
	v11 =	vshra.s32 v11, $0x9  }
0x125: {  	v13 =	vcvt.s32.f32 v13;
	v11 =	vcvt.s32.f32 v11;
	_ =	sdelay $0x1  }
0x126: {  	v14 =	vmul.f32 v13, v5;
	v15 =	vmul.f32 v11, v6  }
0x127: {  	v16 =	vmul.f32 v13, v7;
	v17 =	vmul.f32 v11, v8  }
0x128: {  	v13 =	vmul.f32 v13, v9;
	v11 =	vmul.f32 v11, v10;
	v14 =	vadd.f32 v15, v14  }
0x129: {  	v15 =	vadd.f32 v17, v16  }
0x12a: {  	v11 =	vadd.f32 v11, v13;
	v14 =	vadd.f32 v14, v2  }
0x12b: {  	v13 =	vadd.f32 v15, v3  }
0x12c: {  	v11 =	vadd.f32 v11, v4;
	v14 =	vmul.f32 v14, v12  }
0x12d: {  	v13 =	vmul.f32 v13, v12  }
0x12e: {  	v11 =	vmul.f32 v11, v12;
	[tilespmem:s22+$0xFFFFFF50] =	vst v14  }
0x12f: {  	[tilespmem:s22+$0xFFFFFFD0] =	vst v13  }
0x130: {  	[tilespmem:s22+$0x50] =	vst v11  }
0x131: {  	v11 =	vld [tilespmem:s20+$0x1060]  }
0x132: {  	v12 =	vld [tilespmem:s20+$0x2060]  }
0x133: {  	[tilespmem:s22+$0xE0] =	vst v1;
	_ =	sdelay $0x2  }
0x134: {  	v13 =	vand.u32 $0x1FF, v11;
	v11 =	vshra.s32 v11, $0x9  }
0x135: {  	v13 =	vcvt.s32.f32 v13;
	v11 =	vcvt.s32.f32 v11;
	_ =	sdelay $0x1  }
0x136: {  	v14 =	vmul.f32 v13, v9;
	v15 =	vmul.f32 v11, v10  }
0x137: {  	v16 =	vmul.f32 v13, v5;
	v17 =	vmul.f32 v11, v6  }
0x138: {  	v13 =	vmul.f32 v13, v7;
	v11 =	vmul.f32 v11, v8;
	v14 =	vadd.f32 v15, v14  }
0x139: {  	v15 =	vadd.f32 v17, v16  }
0x13a: {  	v11 =	vadd.f32 v11, v13;
	v13 =	vadd.f32 v14, v4  }
.Ltmp1:
0x13b: {  	v14 =	vadd.f32 v15, v2;
	(pc) =	sbr.rel @p0 .LBB2_4-.Ltmp1, $4  }
0x13c: {  	v11 =	vadd.f32 v11, v3;
	v13 =	vmul.f32 v13, v12  }
0x13d: {  	v14 =	vmul.f32 v14, v12  }
0x13e: {  	v11 =	vmul.f32 v11, v12;
	[tilespmem:s22+$0x60] =	vst v13  }
0x13f: {  	[tilespmem:s22+$0xFFFFFF60] =	vst v14  }
0x140: {  	[tilespmem:s19+$0xFFFFFFE0] =	vst v11  }
0x141: {  	v11 =	vld [tilespmem:s20+$0x1070];
	_ =	sdelay $0x4  }
0x142: {  	v12 =	vand.u32 $0x1FF, v11;
	v11 =	vshra.s32 v11, $0x9  }
0x143: {  	v12 =	vcvt.s32.f32 v12;
	v11 =	vcvt.s32.f32 v11;
	_ =	sdelay $0x1  }
0x144: {  	v13 =	vmul.f32 v12, v5;
	v14 =	vmul.f32 v11, v6  }
0x145: {  	v15 =	vld [tilespmem:s20+$0x2070];
	v16 =	vmul.f32 v12, v7;
	v17 =	vmul.f32 v11, v8  }
0x146: {  	v12 =	vmul.f32 v12, v9;
	v11 =	vmul.f32 v11, v10;
	v13 =	vadd.f32 v14, v13  }
0x147: {  	v47 =	vadd.f32 v17, v16  }
0x148: {  	v11 =	vadd.f32 v11, v12;
	v13 =	vadd.f32 v13, v2  }
0x149: {  	v48 =	vadd.f32 v47, v3  }
0x14a: {  	v11 =	vadd.f32 v11, v4;
	v13 =	vmul.f32 v13, v15  }
0x14b: {  	[tilespmem:s19+$0xF0] =	vst v1;
	v12 =	vmul.f32 v48, v15  }
0x14c: {  	v11 =	vmul.f32 v11, v15;
	[tilespmem:s19+$0xFFFFFF70] =	vst v13  }
0x14d: {  	[tilespmem:s19+$0xFFFFFFF0] =	vst v12  }
0x14e: {  	s31 =	simm.s32 $0x0;
	s20 =	simm.s32 $0x0;
	[tilespmem:s19+$0x70] =	vst v11  }
0x14f: {  	[hbm4b:s6+s31] =	stream.linear.scatter [tilespmem:s15], [sflag:$0x2], $0x2000, $0x38;
	[tilespmem:$0x7800] =	vst v63  }
0x150: {  	v11 =	vld [tilespmem:s20+$0x1800];
	_ =	sdelay $0x4  }
0x151: {  	v49 =	vand.u32 $0x1FF, v11;
	v11 =	vshra.s32 v11, $0x9  }
0x152: {  	v12 =	vcvt.s32.f32 v49;
	v11 =	vcvt.s32.f32 v11;
	_ =	sdelay $0x1  }
0x153: {  	v50 =	vmul.f32 v12, v7;
	v51 =	vmul.f32 v11, v8  }
0x154: {  	v53 =	vld [tilespmem:s20+$0x2800];
	v52 =	vmul.f32 v12, v5;
	v54 =	vmul.f32 v11, v6  }
0x155: {  	v11 =	vmul.f32 v11, v10;
	v12 =	vmul.f32 v12, v9;
	v13 =	vadd.f32 v51, v50  }
0x156: {  	v55 =	vadd.f32 v54, v52  }
0x157: {  	v11 =	vadd.f32 v11, v12;
	v56 =	vadd.f32 v13, v3  }
0x158: {  	v57 =	vadd.f32 v55, v2  }
0x159: {  	s19 =	simm.s32 $0x59F0;
	v11 =	vadd.f32 v11, v4;
	v12 =	vmul.f32 v56, v53  }
0x15a: {  	[tilespmem:s19+$0xFFFFFF90] =	vst v1;
	v13 =	vmul.f32 v57, v53  }
0x15b: {  	v11 =	vmul.f32 v11, v53;
	[tilespmem:s19+$0xFFFFFE90] =	vst v12  }
0x15c: {  	[tilespmem:s19+$0xFFFFFE10] =	vst v13  }
0x15d: {  	[tilespmem:s19+$0xFFFFFF10] =	vst v11  }
0x15e: {  	v11 =	vld [tilespmem:s20+$0x1810];
	_ =	sdelay $0x4  }
0x15f: {  	v58 =	vand.u32 $0x1FF, v11;
	v11 =	vshra.s32 v11, $0x9  }
0x160: {  	v12 =	vcvt.s32.f32 v58;
	v11 =	vcvt.s32.f32 v11;
	_ =	sdelay $0x1  }
0x161: {  	v59 =	vmul.f32 v12, v7;
	v60 =	vmul.f32 v11, v8  }
0x162: {  	v63 =	vld [tilespmem:s20+$0x2810];
	v61 =	vmul.f32 v12, v5;
	v62 =	vmul.f32 v11, v6  }
0x163: {  	v11 =	vmul.f32 v11, v10;
	v12 =	vmul.f32 v12, v9;
	v13 =	vadd.f32 v60, v59  }
0x164: {  	v20 =	vadd.f32 v62, v61  }
0x165: {  	v11 =	vadd.f32 v11, v12;
	v13 =	vadd.f32 v13, v3  }
0x166: {  	v21 =	vadd.f32 v20, v2  }
0x167: {  	v11 =	vadd.f32 v11, v4;
	v13 =	vmul.f32 v13, v63  }
0x168: {  	[tilespmem:s19+$0xFFFFFFA0] =	vst v1;
	v12 =	vmul.f32 v21, v63  }
0x169: {  	v11 =	vmul.f32 v11, v63;
	[tilespmem:s19+$0xFFFFFEA0] =	vst v13  }
0x16a: {  	[tilespmem:s19+$0xFFFFFE20] =	vst v12  }
0x16b: {  	[tilespmem:s19+$0xFFFFFF20] =	vst v11  }
0x16c: {  	v11 =	vld [tilespmem:s20+$0x1820];
	_ =	sdelay $0x4  }
0x16d: {  	v22 =	vand.u32 $0x1FF, v11;
	v11 =	vshra.s32 v11, $0x9  }
0x16e: {  	v12 =	vcvt.s32.f32 v22;
	v11 =	vcvt.s32.f32 v11;
	_ =	sdelay $0x1  }
0x16f: {  	v23 =	vmul.f32 v12, v9;
	v24 =	vmul.f32 v11, v10  }
0x170: {  	v25 =	vld [tilespmem:s20+$0x2820];
	v26 =	vmul.f32 v12, v5;
	v27 =	vmul.f32 v11, v6  }
0x171: {  	v12 =	vmul.f32 v12, v7;
	v11 =	vmul.f32 v11, v8;
	v13 =	vadd.f32 v24, v23  }
0x172: {  	v28 =	vadd.f32 v27, v26  }
0x173: {  	v11 =	vadd.f32 v11, v12;
	v29 =	vadd.f32 v13, v4  }
0x174: {  	v30 =	vadd.f32 v28, v2  }
0x175: {  	v11 =	vadd.f32 v11, v3;
	v12 =	vmul.f32 v29, v25  }
0x176: {  	[tilespmem:s19+$0xFFFFFFB0] =	vst v1;
	v13 =	vmul.f32 v30, v25  }
0x177: {  	v11 =	vmul.f32 v11, v25;
	[tilespmem:s19+$0xFFFFFF30] =	vst v12  }
0x178: {  	[tilespmem:s19+$0xFFFFFE30] =	vst v13  }
0x179: {  	[tilespmem:s19+$0xFFFFFEB0] =	vst v11  }
0x17a: {  	v11 =	vld [tilespmem:s20+$0x1830];
	_ =	sdelay $0x4  }
0x17b: {  	v31 =	vand.u32 $0x1FF, v11;
	v11 =	vshra.s32 v11, $0x9  }
0x17c: {  	v12 =	vcvt.s32.f32 v31;
	v11 =	vcvt.s32.f32 v11;
	_ =	sdelay $0x1  }
0x17d: {  	v32 =	vmul.f32 v12, v5;
	v33 =	vmul.f32 v11, v6  }
0x17e: {  	v36 =	vld [tilespmem:s20+$0x2830];
	v34 =	vmul.f32 v11, v8;
	v35 =	vmul.f32 v12, v7  }
0x17f: {  	v12 =	vmul.f32 v12, v9;
	v11 =	vmul.f32 v11, v10;
	v13 =	vadd.f32 v33, v32  }
0x180: {  	v37 =	vadd.f32 v34, v35  }
0x181: {  	v11 =	vadd.f32 v11, v12;
	v38 =	vadd.f32 v13, v2  }
0x182: {  	v39 =	vadd.f32 v37, v3  }
0x183: {  	v11 =	vadd.f32 v11, v4;
	v12 =	vmul.f32 v38, v36  }
0x184: {  	[tilespmem:s19+$0xFFFFFFC0] =	vst v1;
	v13 =	vmul.f32 v39, v36  }
0x185: {  	v11 =	vmul.f32 v11, v36;
	[tilespmem:s19+$0xFFFFFE40] =	vst v12  }
0x186: {  	[tilespmem:s19+$0xFFFFFEC0] =	vst v13  }
0x187: {  	[tilespmem:s19+$0xFFFFFF40] =	vst v11  }
0x188: {  	v11 =	vld [tilespmem:s20+$0x1840];
	_ =	sdelay $0x4  }
0x189: {  	v40 =	vand.u32 $0x1FF, v11;
	v11 =	vshra.s32 v11, $0x9  }
0x18a: {  	v12 =	vcvt.s32.f32 v40;
	v11 =	vcvt.s32.f32 v11;
	_ =	sdelay $0x1  }
0x18b: {  	v41 =	vmul.f32 v12, v5;
	v42 =	vmul.f32 v11, v6  }
0x18c: {  	v43 =	vld [tilespmem:s20+$0x2840];
	v44 =	vmul.f32 v12, v7;
	v45 =	vmul.f32 v11, v8  }
0x18d: {  	v12 =	vmul.f32 v12, v9;
	v11 =	vmul.f32 v11, v10;
	v13 =	vadd.f32 v42, v41  }
0x18e: {  	v46 =	vadd.f32 v45, v44  }
0x18f: {  	v11 =	vadd.f32 v11, v12;
	v13 =	vadd.f32 v13, v2  }
0x190: {  	v47 =	vadd.f32 v46, v3  }
0x191: {  	v11 =	vadd.f32 v11, v4;
	v13 =	vmul.f32 v13, v43  }
0x192: {  	[tilespmem:s19+$0xFFFFFFD0] =	vst v1;
	v12 =	vmul.f32 v47, v43  }
0x193: {  	v11 =	vmul.f32 v11, v43;
	[tilespmem:s19+$0xFFFFFE50] =	vst v13  }
0x194: {  	[tilespmem:s19+$0xFFFFFED0] =	vst v12  }
0x195: {  	[tilespmem:s19+$0xFFFFFF50] =	vst v11  }
0x196: {  	v11 =	vld [tilespmem:s20+$0x1850];
	_ =	sdelay $0x4  }
0x197: {  	v48 =	vand.u32 $0x1FF, v11;
	v11 =	vshra.s32 v11, $0x9  }
0x198: {  	v12 =	vcvt.s32.f32 v48;
	v11 =	vcvt.s32.f32 v11;
	_ =	sdelay $0x1  }
0x199: {  	v49 =	vmul.f32 v12, v5;
	v50 =	vmul.f32 v11, v6  }
0x19a: {  	v51 =	vld [tilespmem:s20+$0x2850];
	v52 =	vmul.f32 v12, v7;
	v53 =	vmul.f32 v11, v8  }
0x19b: {  	v12 =	vmul.f32 v12, v9;
	v11 =	vmul.f32 v11, v10;
	v13 =	vadd.f32 v50, v49  }
0x19c: {  	v54 =	vadd.f32 v53, v52  }
0x19d: {  	v11 =	vadd.f32 v11, v12;
	v13 =	vadd.f32 v13, v2  }
0x19e: {  	v55 =	vadd.f32 v54, v3  }
0x19f: {  	v11 =	vadd.f32 v11, v4;
	v13 =	vmul.f32 v13, v51  }
0x1a0: {  	[tilespmem:s19+$0xFFFFFFE0] =	vst v1;
	v12 =	vmul.f32 v55, v51  }
0x1a1: {  	v11 =	vmul.f32 v11, v51;
	[tilespmem:s19+$0xFFFFFE60] =	vst v13  }
0x1a2: {  	[tilespmem:s19+$0xFFFFFEE0] =	vst v12  }
0x1a3: {  	[tilespmem:s19+$0xFFFFFF60] =	vst v11  }
0x1a4: {  	v11 =	vld [tilespmem:s20+$0x1860];
	_ =	sdelay $0x4  }
0x1a5: {  	v56 =	vand.u32 $0x1FF, v11;
	v11 =	vshra.s32 v11, $0x9  }
0x1a6: {  	v12 =	vcvt.s32.f32 v56;
	v11 =	vcvt.s32.f32 v11;
	_ =	sdelay $0x1  }
0x1a7: {  	v57 =	vmul.f32 v12, v9;
	v58 =	vmul.f32 v11, v10  }
0x1a8: {  	v59 =	vld [tilespmem:s20+$0x2860];
	v60 =	vmul.f32 v12, v5;
	v61 =	vmul.f32 v11, v6  }
0x1a9: {  	v13 =	vadd.f32 v58, v57  }
0x1aa: {  	v12 =	vmul.f32 v12, v7;
	v11 =	vmul.f32 v11, v8;
	v62 =	vadd.f32 v61, v60  }
0x1ab: {  	v13 =	vadd.f32 v13, v4  }
0x1ac: {  	v11 =	vadd.f32 v11, v12;
	v63 =	vadd.f32 v62, v2  }
0x1ad: {  	v13 =	vmul.f32 v13, v59  }
0x1ae: {  	[tilespmem:s19+$0xFFFFFFF0] =	vst v1;
	v11 =	vadd.f32 v11, v3;
	v12 =	vmul.f32 v63, v59  }
0x1af: {  	[tilespmem:s19+$0xFFFFFF70] =	vst v13  }
0x1b0: {  	s21 =	simm.s32 $0x200;
	s22 =	simm.s32 $0x59F0;
	v11 =	vmul.f32 v11, v59;
	[tilespmem:s19+$0xFFFFFE70] =	vst v12  }
.LBB2_6:
0x1b1: {  	p0 =	sne.s32 s21, $0x1E00  }
0x1b2: {  	[tilespmem:s19+$0xFFFFFEF0] =	vst v11;
	s22 =	sadd.s32 $0x200, s22;
	s23 =	smov.u32 s21;
	s21 =	sadd.s32 $0x200, s21  }
0x1b3: {  	v11 =	vld [tilespmem:s20+$0x1870]  }
0x1b4: {  	v12 =	vld [tilespmem:s20+$0x2870]  }
0x1b5: {  	[tilespmem:s19+$0x0] =	vst v1;
	_ =	sdelay $0x2  }
0x1b6: {  	v13 =	vand.u32 $0x1FF, v11;
	v11 =	vshra.s32 v11, $0x9  }
0x1b7: {  	v13 =	vcvt.s32.f32 v13;
	v11 =	vcvt.s32.f32 v11;
	_ =	sdelay $0x1  }
0x1b8: {  	v14 =	vmul.f32 v13, v5;
	v15 =	vmul.f32 v11, v6  }
0x1b9: {  	v16 =	vmul.f32 v13, v7;
	v17 =	vmul.f32 v11, v8  }
0x1ba: {  	v13 =	vmul.f32 v13, v9;
	v11 =	vmul.f32 v11, v10;
	v14 =	vadd.f32 v15, v14  }
0x1bb: {  	v15 =	vadd.f32 v17, v16  }
0x1bc: {  	v11 =	vadd.f32 v11, v13;
	v14 =	vadd.f32 v14, v2  }
0x1bd: {  	v13 =	vadd.f32 v15, v3  }
0x1be: {  	v11 =	vadd.f32 v11, v4;
	v14 =	vmul.f32 v14, v12  }
0x1bf: {  	v13 =	vmul.f32 v13, v12  }
0x1c0: {  	v11 =	vmul.f32 v11, v12;
	[tilespmem:s19+$0xFFFFFE80] =	vst v14  }
0x1c1: {  	[tilespmem:s19+$0xFFFFFF00] =	vst v13  }
0x1c2: {  	s20 =	sshra.s32 s23, $0x2;
	[tilespmem:s19+$0xFFFFFF80] =	vst v11;
	s19 =	smov.u32 s22  }
0x1c3: {  	v11 =	vld [tilespmem:s20+$0x1800];
	_ =	sdelay $0x4  }
0x1c4: {  	v12 =	vand.u32 $0x1FF, v11;
	v11 =	vshra.s32 v11, $0x9  }
0x1c5: {  	v12 =	vcvt.s32.f32 v12;
	v11 =	vcvt.s32.f32 v11;
	_ =	sdelay $0x1  }
0x1c6: {  	v13 =	vmul.f32 v12, v5;
	v14 =	vmul.f32 v11, v10  }
0x1c7: {  	v15 =	vmul.f32 v12, v7;
	v16 =	vmul.f32 v11, v8  }
0x1c8: {  	v11 =	vmul.f32 v11, v6;
	v12 =	vmul.f32 v12, v9;
	v17 =	vld [tilespmem:s20+$0x2800]  }
0x1c9: {  	v15 =	vadd.f32 v16, v15;
	[tilespmem:s22+$0xFFFFFF90] =	vst v1  }
0x1ca: {  	v11 =	vadd.f32 v11, v13;
	v12 =	vadd.f32 v14, v12  }
0x1cb: {  	v13 =	vadd.f32 v15, v3  }
0x1cc: {  	v11 =	vadd.f32 v11, v2;
	v12 =	vadd.f32 v12, v4  }
0x1cd: {  	v13 =	vmul.f32 v13, v17  }
0x1ce: {  	v11 =	vmul.f32 v11, v17;
	v12 =	vmul.f32 v12, v17  }
0x1cf: {  	[tilespmem:s22+$0xFFFFFE90] =	vst v13  }
0x1d0: {  	[tilespmem:s22+$0xFFFFFE10] =	vst v11  }
0x1d1: {  	[tilespmem:s22+$0xFFFFFF10] =	vst v12  }
0x1d2: {  	v11 =	vld [tilespmem:s20+$0x1810];
	_ =	sdelay $0x4  }
0x1d3: {  	v12 =	vand.u32 $0x1FF, v11;
	v11 =	vshra.s32 v11, $0x9  }
0x1d4: {  	v12 =	vcvt.s32.f32 v12;
	v11 =	vcvt.s32.f32 v11;
	_ =	sdelay $0x1  }
0x1d5: {  	v13 =	vmul.f32 v12, v5;
	v14 =	vmul.f32 v12, v7  }
0x1d6: {  	v15 =	vmul.f32 v11, v6;
	v16 =	vmul.f32 v11, v8  }
0x1d7: {  	v11 =	vmul.f32 v11, v10;
	v17 =	vld [tilespmem:s20+$0x2810]  }
0x1d8: {  	v12 =	vmul.f32 v12, v9;
	v13 =	vadd.f32 v15, v13;
	v14 =	vadd.f32 v16, v14;
	_ =	sdelay $0x1  }
0x1d9: {  	v11 =	vadd.f32 v11, v12;
	v14 =	vadd.f32 v14, v3  }
0x1da: {  	v12 =	vadd.f32 v13, v2  }
0x1db: {  	v11 =	vadd.f32 v11, v4;
	v13 =	vmul.f32 v14, v17  }
0x1dc: {  	v12 =	vmul.f32 v12, v17;
	[tilespmem:s22+$0xFFFFFFA0] =	vst v1  }
0x1dd: {  	v11 =	vmul.f32 v11, v17;
	[tilespmem:s22+$0xFFFFFEA0] =	vst v13  }
0x1de: {  	[tilespmem:s22+$0xFFFFFE20] =	vst v12  }
0x1df: {  	[tilespmem:s22+$0xFFFFFF20] =	vst v11  }
0x1e0: {  	v11 =	vld [tilespmem:s20+$0x1820];
	_ =	sdelay $0x4  }
0x1e1: {  	v12 =	vand.u32 $0x1FF, v11;
	v11 =	vshra.s32 v11, $0x9  }
0x1e2: {  	v12 =	vcvt.s32.f32 v12;
	v11 =	vcvt.s32.f32 v11;
	_ =	sdelay $0x1  }
0x1e3: {  	v13 =	vmul.f32 v12, v9;
	v14 =	vmul.f32 v11, v10  }
0x1e4: {  	v16 =	vmul.f32 v12, v5;
	v17 =	vmul.f32 v11, v6;
	v15 =	vld [tilespmem:s20+$0x2820]  }
0x1e5: {  	v12 =	vmul.f32 v12, v7;
	v11 =	vmul.f32 v11, v8;
	v13 =	vadd.f32 v14, v13  }
0x1e6: {  	v14 =	vadd.f32 v17, v16  }
0x1e7: {  	v11 =	vadd.f32 v11, v12;
	v12 =	vadd.f32 v13, v4  }
0x1e8: {  	v13 =	vadd.f32 v14, v2  }
0x1e9: {  	v11 =	vadd.f32 v11, v3;
	v12 =	vmul.f32 v12, v15  }
0x1ea: {  	v13 =	vmul.f32 v13, v15;
	[tilespmem:s22+$0xFFFFFFB0] =	vst v1  }
0x1eb: {  	v11 =	vmul.f32 v11, v15;
	[tilespmem:s22+$0xFFFFFF30] =	vst v12  }
0x1ec: {  	[tilespmem:s22+$0xFFFFFE30] =	vst v13  }
0x1ed: {  	[tilespmem:s22+$0xFFFFFEB0] =	vst v11  }
0x1ee: {  	v11 =	vld [tilespmem:s20+$0x1830];
	_ =	sdelay $0x4  }
0x1ef: {  	v12 =	vand.u32 $0x1FF, v11;
	v11 =	vshra.s32 v11, $0x9  }
0x1f0: {  	v12 =	vcvt.s32.f32 v12;
	v11 =	vcvt.s32.f32 v11;
	_ =	sdelay $0x1  }
0x1f1: {  	v13 =	vmul.f32 v12, v5;
	v14 =	vmul.f32 v11, v8  }
0x1f2: {  	v15 =	vmul.f32 v11, v6;
	v16 =	vmul.f32 v12, v7  }
0x1f3: {  	v12 =	vmul.f32 v12, v9;
	v11 =	vmul.f32 v11, v10;
	v17 =	vld [tilespmem:s20+$0x2830]  }
0x1f4: {  	v13 =	vadd.f32 v15, v13;
	v14 =	vadd.f32 v14, v16  }
0x1f5: {  	v11 =	vadd.f32 v11, v12  }
0x1f6: {  	v12 =	vadd.f32 v13, v2;
	v13 =	vadd.f32 v14, v3  }
0x1f7: {  	v11 =	vadd.f32 v11, v4  }
0x1f8: {  	v12 =	vmul.f32 v12, v17;
	v13 =	vmul.f32 v13, v17  }
0x1f9: {  	v11 =	vmul.f32 v11, v17;
	[tilespmem:s22+$0xFFFFFFC0] =	vst v1  }
0x1fa: {  	[tilespmem:s22+$0xFFFFFE40] =	vst v12  }
0x1fb: {  	[tilespmem:s22+$0xFFFFFEC0] =	vst v13  }
0x1fc: {  	[tilespmem:s22+$0xFFFFFF40] =	vst v11  }
0x1fd: {  	v11 =	vld [tilespmem:s20+$0x1840];
	_ =	sdelay $0x4  }
0x1fe: {  	v12 =	vand.u32 $0x1FF, v11;
	v11 =	vshra.s32 v11, $0x9  }
0x1ff: {  	v12 =	vcvt.s32.f32 v12;
	v11 =	vcvt.s32.f32 v11;
	_ =	sdelay $0x1  }
0x200: {  	v13 =	vmul.f32 v12, v5;
	v14 =	vmul.f32 v11, v6  }
0x201: {  	v16 =	vmul.f32 v12, v7;
	v17 =	vmul.f32 v11, v8;
	v15 =	vld [tilespmem:s20+$0x2840]  }
0x202: {  	v12 =	vmul.f32 v12, v9;
	v11 =	vmul.f32 v11, v10;
	v13 =	vadd.f32 v14, v13;
	[tilespmem:s22+$0xFFFFFFD0] =	vst v1  }
0x203: {  	v14 =	vadd.f32 v17, v16  }
0x204: {  	v11 =	vadd.f32 v11, v12;
	v13 =	vadd.f32 v13, v2  }
0x205: {  	v12 =	vadd.f32 v14, v3  }
0x206: {  	v11 =	vadd.f32 v11, v4;
	v13 =	vmul.f32 v13, v15  }
0x207: {  	v12 =	vmul.f32 v12, v15  }
0x208: {  	v11 =	vmul.f32 v11, v15;
	[tilespmem:s22+$0xFFFFFE50] =	vst v13  }
0x209: {  	[tilespmem:s22+$0xFFFFFED0] =	vst v12  }
0x20a: {  	[tilespmem:s22+$0xFFFFFF50] =	vst v11  }
0x20b: {  	v11 =	vld [tilespmem:s20+$0x1850]  }
0x20c: {  	v12 =	vld [tilespmem:s20+$0x2850]  }
0x20d: {  	[tilespmem:s22+$0xFFFFFFE0] =	vst v1;
	_ =	sdelay $0x2  }
0x20e: {  	v13 =	vand.u32 $0x1FF, v11;
	v11 =	vshra.s32 v11, $0x9  }
0x20f: {  	v13 =	vcvt.s32.f32 v13;
	v11 =	vcvt.s32.f32 v11;
	_ =	sdelay $0x1  }
0x210: {  	v14 =	vmul.f32 v13, v5;
	v15 =	vmul.f32 v11, v6  }
0x211: {  	v16 =	vmul.f32 v13, v7;
	v17 =	vmul.f32 v11, v8  }
0x212: {  	v13 =	vmul.f32 v13, v9;
	v11 =	vmul.f32 v11, v10;
	v14 =	vadd.f32 v15, v14  }
0x213: {  	v15 =	vadd.f32 v17, v16  }
0x214: {  	v11 =	vadd.f32 v11, v13;
	v14 =	vadd.f32 v14, v2  }
0x215: {  	v13 =	vadd.f32 v15, v3  }
0x216: {  	v11 =	vadd.f32 v11, v4;
	v14 =	vmul.f32 v14, v12  }
0x217: {  	v13 =	vmul.f32 v13, v12  }
0x218: {  	v11 =	vmul.f32 v11, v12;
	[tilespmem:s22+$0xFFFFFE60] =	vst v14  }
0x219: {  	[tilespmem:s22+$0xFFFFFEE0] =	vst v13  }
0x21a: {  	[tilespmem:s22+$0xFFFFFF60] =	vst v11  }
0x21b: {  	v11 =	vld [tilespmem:s20+$0x1860]  }
0x21c: {  	v12 =	vld [tilespmem:s20+$0x2860]  }
0x21d: {  	[tilespmem:s22+$0xFFFFFFF0] =	vst v1;
	_ =	sdelay $0x2  }
0x21e: {  	v13 =	vand.u32 $0x1FF, v11;
	v11 =	vshra.s32 v11, $0x9  }
0x21f: {  	v13 =	vcvt.s32.f32 v13;
	v11 =	vcvt.s32.f32 v11;
	_ =	sdelay $0x1  }
0x220: {  	v14 =	vmul.f32 v13, v9;
	v15 =	vmul.f32 v11, v10  }
0x221: {  	v16 =	vmul.f32 v13, v5;
	v17 =	vmul.f32 v11, v6  }
0x222: {  	v13 =	vmul.f32 v13, v7;
	v11 =	vmul.f32 v11, v8;
	v14 =	vadd.f32 v15, v14  }
0x223: {  	v15 =	vadd.f32 v17, v16  }
0x224: {  	v11 =	vadd.f32 v11, v13;
	v13 =	vadd.f32 v14, v4  }
.Ltmp2:
0x225: {  	v14 =	vadd.f32 v15, v2;
	(pc) =	sbr.rel @p0 .LBB2_6-.Ltmp2, $4  }
0x226: {  	v11 =	vadd.f32 v11, v3;
	v13 =	vmul.f32 v13, v12  }
0x227: {  	v14 =	vmul.f32 v14, v12  }
0x228: {  	v11 =	vmul.f32 v11, v12;
	[tilespmem:s22+$0xFFFFFF70] =	vst v13  }
0x229: {  	[tilespmem:s22+$0xFFFFFE70] =	vst v14  }
0x22a: {  	[tilespmem:s19+$0xFFFFFEF0] =	vst v11  }
0x22b: {  	v11 =	vld [tilespmem:s20+$0x1870];
	_ =	sdelay $0x4  }
0x22c: {  	v12 =	vand.u32 $0x1FF, v11;
	v11 =	vshra.s32 v11, $0x9  }
0x22d: {  	v12 =	vcvt.s32.f32 v12;
	v11 =	vcvt.s32.f32 v11;
	_ =	sdelay $0x1  }
0x22e: {  	v5 =	vmul.f32 v12, v5;
	v6 =	vmul.f32 v11, v6  }
0x22f: {  	v13 =	vld [tilespmem:s20+$0x2870];
	v7 =	vmul.f32 v12, v7;
	v8 =	vmul.f32 v11, v8  }
0x230: {  	v61 =	vmul.f32 v12, v9;
	v62 =	vmul.f32 v11, v10;
	v5 =	vadd.f32 v6, v5  }
0x231: {  	v7 =	vadd.f32 v8, v7  }
0x232: {  	v63 =	vadd.f32 v62, v61;
	v2 =	vadd.f32 v5, v2  }
0x233: {  	v3 =	vadd.f32 v7, v3  }
0x234: {  	v4 =	vadd.f32 v63, v4;
	v2 =	vmul.f32 v2, v13  }
0x235: {  	[tilespmem:s19+$0x0] =	vst v1;
	v3 =	vmul.f32 v3, v13  }
0x236: {  	[tilespmem:s19+$0xFFFFFE80] =	vst v2;
	v2 =	vmul.f32 v4, v13  }
0x237: {  	[tilespmem:s19+$0xFFFFFF00] =	vst v3  }
0x238: {  	s18 =	sadd.s32 $0x1, s18;
	[tilespmem:s19+$0xFFFFFF80] =	vst v2  }
0x239: {  	[hbm4b:s7+s3] =	stream.linear.scatter [tilespmem:s16], [sflag:$0x2], $0x2000, $0x38;
	[tilespmem:$0x7800] =	vst v63  }
0x23a: {  	p0 =	sne.s32 s18, s8;
	_ =	swait.ge [sflag:s17], $0x2000  }
.Ltmp3:
0x23b: {  	[sflag:s17] =	ssyncset.done $0x0;
	(pc) =	sbr.rel @p0 .LBB2_1-.Ltmp3, $4  }
0x23c: {  	[sflag:s17] =	ssyncadd.s32 $0xFFFFE000  }
0x23d: {  	_ =	swait.ge [sflag:s17], $0x2000  }
0x23e: {  	[sflag:s17] =	ssyncset.done $0x0  }
0x23f: {  	[sflag:s17] =	ssyncadd.s32 $0xFFFFE000  }
0x240: {  	_ =	sfence.sel $0x180000  }
0x241: {  	[bflag:$0x0] =	sbarrier.arrive $0xFFFF  }
0x242: {  	p0 =	sne.s32 s2, $0x0;
	_ =	strace $0x90000047  }
0x243: {  	s0 =	sadd.s32 @!p0 $0x100000, s0;
	[bflag:$0x2] =	sbarrier.arrive $0xFFFF  }
0x244: {  	[sflag:s0] =	ssyncadd.tile.s32 @!p0 $0x1;
	_ =	shalt  }
.Lfunc_end2:
_tile_overlayer_lowered:
.L_overlay_start_2:
0x245: {  	(tag) =	ssettag $0x2  }
0x246: {  	s0 =	rddreg [dreg:$0x0];
	s2 =	stileid.u32  }
0x247: {  	s1 =	rddreg [dreg:$0x1];
	p0 =	sne.s32 s2, $0x0  }
0x248: {  	s3 =	rddreg [dreg:$0x2];
	[bflag:$0x3] =	sbarrier.arrive $0xFFFF;
	s2 =	simm.s32 @!p0 $0x1C03  }
0x249: {  	[timem:s3], [sflag:s2] =	dma.local @!p0 [hbm:s0], s1  }
0x24a: {  	s0 =	simm.s32 @!p0 $0x3  }
0x24b: {  	_ =	swait.ge @!p0 [sflag:s0], s1  }
0x24c: {  	s1 =	ssub.s32 @!p0 $0x0, s1;
	[sflag:s0] =	ssyncset.done @!p0 $0x0  }
0x24d: {  	[sflag:s0] =	ssyncadd.s32 @!p0 s1  }
0x24e: {  	[bflag:$0x3] =	sbarrier.arrive $0xFFFF  }
0x24f: {  	_ =	shalt  }

</sc_bundles>
